<compile_context>
chip_gen: v7x
topology: tpu7x:2x2x1
jax: 0.10.2.dev20260603
libtpu: 0.0.44.dev20260713+nightly
codegen_flags: <defaults>
</compile_context>

<pallas_src>
import functools

import jax
import jax.numpy as jnp
from jax import lax
from jax.experimental import pallas as pl
from jax.experimental.pallas import tpu as pltpu
from jax.experimental.pallas import tpu_sc as plsc

_NC = 2
_NS = 16
_NW = _NC * _NS

_BATCH = 16384
_HIST = 50
_FEATURES = 64
_TOTAL = _BATCH * _HIST
_PER_W = _TOTAL // _NW
_G = 128
_NG = _PER_W // _G
_K = 2
_M_ROWS = _K * _G
_MACROS = _NG // _K
_NBUF = 4


def _embed_gather(idx3, table):
  mesh = plsc.VectorSubcoreMesh(core_axis_name="c", subcore_axis_name="s")

  @functools.partial(
      pl.kernel,
      mesh=mesh,
      compiler_params=pltpu.CompilerParams(use_tc_tiling_on_sc=False),
      out_type=jax.ShapeDtypeStruct((_TOTAL, _FEATURES), jnp.float32),
      scratch_types=(
          [pltpu.VMEM((_NG, _G), jnp.int32)]
          + [pltpu.VMEM((_M_ROWS, _FEATURES), jnp.float32)] * _NBUF
          + [pltpu.SemaphoreType.DMA] * (2 * _NBUF)
      ),
  )
  def k(idx_hbm, table_hbm, out_hbm, idx_v, *bufs_and_sems):
    wid = lax.axis_index("s") * _NC + lax.axis_index("c")
    base = wid * _PER_W
    rows = bufs_and_sems[:_NBUF]
    sg = bufs_and_sems[_NBUF:2 * _NBUF]
    sw = bufs_and_sems[2 * _NBUF:]

    pltpu.sync_copy(idx_hbm.at[wid], idx_v)

    def fire_gathers(m, b):
      for kk in range(_K):
        pltpu.async_copy(
            table_hbm.at[idx_v.at[_K * m + kk]],
            rows[b].at[pl.ds(kk * _G, _G)],
            sg[b])

    def drain_gathers(b):
      pltpu.make_async_copy(out_hbm.at[pl.ds(0, _M_ROWS)], rows[b], sg[b]).wait()

    def fire_write(m, b):
      pltpu.async_copy(rows[b], out_hbm.at[pl.ds(base + m * _M_ROWS, _M_ROWS)], sw[b])

    def drain_write(b):
      pltpu.make_async_copy(rows[b], out_hbm.at[pl.ds(base, _M_ROWS)], sw[b]).wait()

    for b in range(_NBUF):
      fire_gathers(b, b)
    for b in range(_NBUF - 1):
      drain_gathers(b)
      fire_write(b, b)

    def body(m2, carry):
      for h in range(_NBUF):
        m = _NBUF * m2 + h
        drain_write(h)
        fire_gathers(m, h)
        drain_gathers((h - 1) % _NBUF)
        fire_write(m - 1, (h - 1) % _NBUF)
      return carry

    lax.fori_loop(1, _MACROS // _NBUF, body, 0)

    drain_gathers(_NBUF - 1)
    fire_write(_MACROS - 1, _NBUF - 1)
    for b in range(_NBUF):
      drain_write(b)

  return k(idx3, table)


def kernel(inputs, embedding):
  idx3 = inputs.reshape(_NW, _NG, _G).astype(jnp.int32)
  out = _embed_gather(idx3, embedding)
  return out.reshape(_BATCH, _HIST, _FEATURES)

# --- scband reference (transcript-rebuilt; emitter-appended) ---
"""Pipeline reference for scband-embed-12721693131101 (READ-ONLY COPY).

The authoritative reference and input builder live on the scoring server;
editing this copy changes nothing except your own understanding.
"""

import jax, jax.numpy as jnp
import numpy as np

NUM_EMBEDDINGS = 1000000
FEATURES = 64
BATCH = 16384
HIST = 50

def setup_inputs(seed: int = 0) -> dict:
    key = jax.random.key(seed)
    k_idx, k_emb = jax.random.split(key)
    inputs = jax.random.randint(k_idx, (BATCH, HIST), 0, NUM_EMBEDDINGS, dtype=jnp.int64 if jax.config.jax_enable_x64 else jnp.int32)
    embedding = jax.random.normal(k_emb, (NUM_EMBEDDINGS, FEATURES), dtype=jnp.float32)
    return {"inputs": inputs, "embedding": embedding}

def reference(inputs, embedding):
    # Faithful translation of Embed.__call__ with mode='input'
    return jnp.take(embedding, inputs, axis=0)

if __name__ == "__main__":
    import jax
    _d = setup_inputs()
    print(jax.jit(kernel)(*tuple(_d.values())))

</pallas_src>

<mosaic_0001>
#map = affine_map<(d0, d1) -> (0, 0, 0)>
#map1 = affine_map<(d0, d1) -> (0, 0)>
module attributes {stable_mosaic.version = 14 : i64} {
  func.func @k(%arg0: i32, %arg1: i32, %arg2: memref<32x200x128xi32, #tpu.memory_space<hbm>>, %arg3: memref<1000000x64xf32, #tpu.memory_space<hbm>>, %arg4: memref<819200x64xf32, #tpu.memory_space<hbm>>, %arg5: memref<200x128xi32, #tpu.memory_space<vmem>>, %arg6: memref<256x64xf32, #tpu.memory_space<vmem>>, %arg7: memref<256x64xf32, #tpu.memory_space<vmem>>, %arg8: memref<256x64xf32, #tpu.memory_space<vmem>>, %arg9: memref<256x64xf32, #tpu.memory_space<vmem>>, %arg10: memref<!tpu.dma_semaphore, #tpu.memory_space<semaphore_mem>>, %arg11: memref<!tpu.dma_semaphore, #tpu.memory_space<semaphore_mem>>, %arg12: memref<!tpu.dma_semaphore, #tpu.memory_space<semaphore_mem>>, %arg13: memref<!tpu.dma_semaphore, #tpu.memory_space<semaphore_mem>>, %arg14: memref<!tpu.dma_semaphore, #tpu.memory_space<semaphore_mem>>, %arg15: memref<!tpu.dma_semaphore, #tpu.memory_space<semaphore_mem>>, %arg16: memref<!tpu.dma_semaphore, #tpu.memory_space<semaphore_mem>>, %arg17: memref<!tpu.dma_semaphore, #tpu.memory_space<semaphore_mem>>) attributes {dimension_semantics = [#tpu.dimension_semantics<core_parallel>, #tpu.dimension_semantics<subcore_parallel>], iteration_bounds = array<i64: 2, 16>, scalar_prefetch = 0 : i64, scratch_operands = 13 : i64, tpu.core_type = #tpu.core_type<sc_vector_subcore>, window_params = [{transform_indices = #map}, {transform_indices = #map1}, {transform_indices = #map1}]} {
    %mul3A = arith.constant 2 : i32
    %mul3A_0 = arith.muli %arg1, %mul3A : i32
    %add3A = arith.addi %mul3A_0, %arg0 : i32
    %mul3A_1 = arith.constant 25600 : i32
    %mul3A_2 = arith.muli %add3A, %mul3A_1 : i32
    "tpu.region"() ({
      %run_scoped3A = tpu.sem_alloc : memref<!tpu.dma_semaphore, #tpu.memory_space<semaphore_mem>>
      %dma_start3A_150 = arith.constant 0 : i32
      %dma_start3A_151 = arith.constant 0 : i32
      %dma_start3A_152 = tpu.memref_slice %arg2[%add3A, %dma_start3A_150, %dma_start3A_151] : memref<32x200x128xi32, #tpu.memory_space<hbm>> -> memref<1x200x128xi32, #tpu.memory_space<hbm>>
      %dma_start3A_153 = tpu.memref_squeeze %dma_start3A_152 : memref<1x200x128xi32, #tpu.memory_space<hbm>> -> memref<200x128xi32, #tpu.memory_space<hbm>>
      %dma_start3A_154 = arith.constant 0 : i32
      %dma_start3A_155 = arith.constant 0 : i32
      %dma_start3A_156 = tpu.memref_slice %arg2[%add3A, %dma_start3A_154, %dma_start3A_155] : memref<32x200x128xi32, #tpu.memory_space<hbm>> -> memref<1x200x128xi32, #tpu.memory_space<hbm>>
      %dma_start3A_157 = tpu.memref_squeeze %dma_start3A_156 : memref<1x200x128xi32, #tpu.memory_space<hbm>> -> memref<200x128xi32, #tpu.memory_space<hbm>>
      tpu.enqueue_dma source(%dma_start3A_157 : memref<200x128xi32, #tpu.memory_space<hbm>>) target(%arg5 : memref<200x128xi32, #tpu.memory_space<vmem>>) target_semaphore(%run_scoped3A : memref<!tpu.dma_semaphore, #tpu.memory_space<semaphore_mem>>)
      %dma_wait3A_158 = arith.constant 0 : i32
      %dma_wait3A_159 = arith.constant 0 : i32
      %dma_wait3A_160 = tpu.memref_slice %arg2[%add3A, %dma_wait3A_158, %dma_wait3A_159] : memref<32x200x128xi32, #tpu.memory_space<hbm>> -> memref<1x200x128xi32, #tpu.memory_space<hbm>>
      %dma_wait3A_161 = tpu.memref_squeeze %dma_wait3A_160 : memref<1x200x128xi32, #tpu.memory_space<hbm>> -> memref<200x128xi32, #tpu.memory_space<hbm>>
      %dma_wait3A_162 = arith.constant 0 : i32
      %dma_wait3A_163 = arith.constant 0 : i32
      %dma_wait3A_164 = tpu.memref_slice %arg2[%add3A, %dma_wait3A_162, %dma_wait3A_163] : memref<32x200x128xi32, #tpu.memory_space<hbm>> -> memref<1x200x128xi32, #tpu.memory_space<hbm>>
      %dma_wait3A_165 = tpu.memref_squeeze %dma_wait3A_164 : memref<1x200x128xi32, #tpu.memory_space<hbm>> -> memref<200x128xi32, #tpu.memory_space<hbm>>
      tpu.wait_dma2 semaphore(%run_scoped3A : memref<!tpu.dma_semaphore, #tpu.memory_space<semaphore_mem>>) src(%dma_wait3A_165 : memref<200x128xi32, #tpu.memory_space<hbm>>) dst(%arg5 : memref<200x128xi32, #tpu.memory_space<vmem>>)
      tpu.yield
    }) : () -> ()
    %dma_start3A = arith.constant 0 : i32
    %dma_start3A_3 = arith.constant 0 : i32
    %dma_start3A_4 = arith.constant 0 : i32
    %dma_start3A_5 = tpu.memref_slice %arg6[%dma_start3A_3, %dma_start3A_4] : memref<256x64xf32, #tpu.memory_space<vmem>> -> memref<128x64xf32, #tpu.memory_space<vmem>>
    %dma_start3A_6 = arith.constant 0 : i32
    %dma_start3A_7 = tpu.memref_slice %arg5[%dma_start3A, %dma_start3A_6] : memref<200x128xi32, #tpu.memory_space<vmem>> -> memref<1x128xi32, #tpu.memory_space<vmem>>
    %dma_start3A_8 = tpu.memref_squeeze %dma_start3A_7 : memref<1x128xi32, #tpu.memory_space<vmem>> -> memref<128xi32, #tpu.memory_space<vmem>>
    %dma_start3A_9 = arith.constant 0 : i32
    %dma_start3A_10 = arith.constant 0 : i32
    %dma_start3A_11 = tpu.memref_slice %arg3[%dma_start3A_9, %dma_start3A_10] : memref<1000000x64xf32, #tpu.memory_space<hbm>> -> memref<1000000x64xf32, #tpu.memory_space<hbm>>
    tpu.enqueue_indirect_dma source(%dma_start3A_11 : memref<1000000x64xf32, #tpu.memory_space<hbm>>) target(%dma_start3A_5 : memref<128x64xf32, #tpu.memory_space<vmem>>) offsets(%dma_start3A_8 : memref<128xi32, #tpu.memory_space<vmem>>) semaphore(%arg10 : memref<!tpu.dma_semaphore, #tpu.memory_space<semaphore_mem>>)
    %dma_start3A_12 = arith.constant 1 : i32
    %dma_start3A_13 = arith.constant 128 : i32
    %dma_start3A_14 = arith.constant 0 : i32
    %dma_start3A_15 = tpu.memref_slice %arg6[%dma_start3A_13, %dma_start3A_14] : memref<256x64xf32, #tpu.memory_space<vmem>> -> memref<128x64xf32, #tpu.memory_space<vmem>>
    %dma_start3A_16 = arith.constant 0 : i32
    %dma_start3A_17 = tpu.memref_slice %arg5[%dma_start3A_12, %dma_start3A_16] : memref<200x128xi32, #tpu.memory_space<vmem>> -> memref<1x128xi32, #tpu.memory_space<vmem>>
    %dma_start3A_18 = tpu.memref_squeeze %dma_start3A_17 : memref<1x128xi32, #tpu.memory_space<vmem>> -> memref<128xi32, #tpu.memory_space<vmem>>
    %dma_start3A_19 = arith.constant 0 : i32
    %dma_start3A_20 = arith.constant 0 : i32
    %dma_start3A_21 = tpu.memref_slice %arg3[%dma_start3A_19, %dma_start3A_20] : memref<1000000x64xf32, #tpu.memory_space<hbm>> -> memref<1000000x64xf32, #tpu.memory_space<hbm>>
    tpu.enqueue_indirect_dma source(%dma_start3A_21 : memref<1000000x64xf32, #tpu.memory_space<hbm>>) target(%dma_start3A_15 : memref<128x64xf32, #tpu.memory_space<vmem>>) offsets(%dma_start3A_18 : memref<128xi32, #tpu.memory_space<vmem>>) semaphore(%arg10 : memref<!tpu.dma_semaphore, #tpu.memory_space<semaphore_mem>>)
    %dma_start3A_22 = arith.constant 2 : i32
    %dma_start3A_23 = arith.constant 0 : i32
    %dma_start3A_24 = arith.constant 0 : i32
    %dma_start3A_25 = tpu.memref_slice %arg7[%dma_start3A_23, %dma_start3A_24] : memref<256x64xf32, #tpu.memory_space<vmem>> -> memref<128x64xf32, #tpu.memory_space<vmem>>
    %dma_start3A_26 = arith.constant 0 : i32
    %dma_start3A_27 = tpu.memref_slice %arg5[%dma_start3A_22, %dma_start3A_26] : memref<200x128xi32, #tpu.memory_space<vmem>> -> memref<1x128xi32, #tpu.memory_space<vmem>>
    %dma_start3A_28 = tpu.memref_squeeze %dma_start3A_27 : memref<1x128xi32, #tpu.memory_space<vmem>> -> memref<128xi32, #tpu.memory_space<vmem>>
    %dma_start3A_29 = arith.constant 0 : i32
    %dma_start3A_30 = arith.constant 0 : i32
    %dma_start3A_31 = tpu.memref_slice %arg3[%dma_start3A_29, %dma_start3A_30] : memref<1000000x64xf32, #tpu.memory_space<hbm>> -> memref<1000000x64xf32, #tpu.memory_space<hbm>>
    tpu.enqueue_indirect_dma source(%dma_start3A_31 : memref<1000000x64xf32, #tpu.memory_space<hbm>>) target(%dma_start3A_25 : memref<128x64xf32, #tpu.memory_space<vmem>>) offsets(%dma_start3A_28 : memref<128xi32, #tpu.memory_space<vmem>>) semaphore(%arg11 : memref<!tpu.dma_semaphore, #tpu.memory_space<semaphore_mem>>)
    %dma_start3A_32 = arith.constant 3 : i32
    %dma_start3A_33 = arith.constant 128 : i32
    %dma_start3A_34 = arith.constant 0 : i32
    %dma_start3A_35 = tpu.memref_slice %arg7[%dma_start3A_33, %dma_start3A_34] : memref<256x64xf32, #tpu.memory_space<vmem>> -> memref<128x64xf32, #tpu.memory_space<vmem>>
    %dma_start3A_36 = arith.constant 0 : i32
    %dma_start3A_37 = tpu.memref_slice %arg5[%dma_start3A_32, %dma_start3A_36] : memref<200x128xi32, #tpu.memory_space<vmem>> -> memref<1x128xi32, #tpu.memory_space<vmem>>
    %dma_start3A_38 = tpu.memref_squeeze %dma_start3A_37 : memref<1x128xi32, #tpu.memory_space<vmem>> -> memref<128xi32, #tpu.memory_space<vmem>>
    %dma_start3A_39 = arith.constant 0 : i32
    %dma_start3A_40 = arith.constant 0 : i32
    %dma_start3A_41 = tpu.memref_slice %arg3[%dma_start3A_39, %dma_start3A_40] : memref<1000000x64xf32, #tpu.memory_space<hbm>> -> memref<1000000x64xf32, #tpu.memory_space<hbm>>
    tpu.enqueue_indirect_dma source(%dma_start3A_41 : memref<1000000x64xf32, #tpu.memory_space<hbm>>) target(%dma_start3A_35 : memref<128x64xf32, #tpu.memory_space<vmem>>) offsets(%dma_start3A_38 : memref<128xi32, #tpu.memory_space<vmem>>) semaphore(%arg11 : memref<!tpu.dma_semaphore, #tpu.memory_space<semaphore_mem>>)
    %dma_start3A_42 = arith.constant 4 : i32
    %dma_start3A_43 = arith.constant 0 : i32
    %dma_start3A_44 = arith.constant 0 : i32
    %dma_start3A_45 = tpu.memref_slice %arg8[%dma_start3A_43, %dma_start3A_44] : memref<256x64xf32, #tpu.memory_space<vmem>> -> memref<128x64xf32, #tpu.memory_space<vmem>>
    %dma_start3A_46 = arith.constant 0 : i32
    %dma_start3A_47 = tpu.memref_slice %arg5[%dma_start3A_42, %dma_start3A_46] : memref<200x128xi32, #tpu.memory_space<vmem>> -> memref<1x128xi32, #tpu.memory_space<vmem>>
    %dma_start3A_48 = tpu.memref_squeeze %dma_start3A_47 : memref<1x128xi32, #tpu.memory_space<vmem>> -> memref<128xi32, #tpu.memory_space<vmem>>
    %dma_start3A_49 = arith.constant 0 : i32
    %dma_start3A_50 = arith.constant 0 : i32
    %dma_start3A_51 = tpu.memref_slice %arg3[%dma_start3A_49, %dma_start3A_50] : memref<1000000x64xf32, #tpu.memory_space<hbm>> -> memref<1000000x64xf32, #tpu.memory_space<hbm>>
    tpu.enqueue_indirect_dma source(%dma_start3A_51 : memref<1000000x64xf32, #tpu.memory_space<hbm>>) target(%dma_start3A_45 : memref<128x64xf32, #tpu.memory_space<vmem>>) offsets(%dma_start3A_48 : memref<128xi32, #tpu.memory_space<vmem>>) semaphore(%arg12 : memref<!tpu.dma_semaphore, #tpu.memory_space<semaphore_mem>>)
    %dma_start3A_52 = arith.constant 5 : i32
    %dma_start3A_53 = arith.constant 128 : i32
    %dma_start3A_54 = arith.constant 0 : i32
    %dma_start3A_55 = tpu.memref_slice %arg8[%dma_start3A_53, %dma_start3A_54] : memref<256x64xf32, #tpu.memory_space<vmem>> -> memref<128x64xf32, #tpu.memory_space<vmem>>
    %dma_start3A_56 = arith.constant 0 : i32
    %dma_start3A_57 = tpu.memref_slice %arg5[%dma_start3A_52, %dma_start3A_56] : memref<200x128xi32, #tpu.memory_space<vmem>> -> memref<1x128xi32, #tpu.memory_space<vmem>>
    %dma_start3A_58 = tpu.memref_squeeze %dma_start3A_57 : memref<1x128xi32, #tpu.memory_space<vmem>> -> memref<128xi32, #tpu.memory_space<vmem>>
    %dma_start3A_59 = arith.constant 0 : i32
    %dma_start3A_60 = arith.constant 0 : i32
    %dma_start3A_61 = tpu.memref_slice %arg3[%dma_start3A_59, %dma_start3A_60] : memref<1000000x64xf32, #tpu.memory_space<hbm>> -> memref<1000000x64xf32, #tpu.memory_space<hbm>>
    tpu.enqueue_indirect_dma source(%dma_start3A_61 : memref<1000000x64xf32, #tpu.memory_space<hbm>>) target(%dma_start3A_55 : memref<128x64xf32, #tpu.memory_space<vmem>>) offsets(%dma_start3A_58 : memref<128xi32, #tpu.memory_space<vmem>>) semaphore(%arg12 : memref<!tpu.dma_semaphore, #tpu.memory_space<semaphore_mem>>)
    %dma_start3A_62 = arith.constant 6 : i32
    %dma_start3A_63 = arith.constant 0 : i32
    %dma_start3A_64 = arith.constant 0 : i32
    %dma_start3A_65 = tpu.memref_slice %arg9[%dma_start3A_63, %dma_start3A_64] : memref<256x64xf32, #tpu.memory_space<vmem>> -> memref<128x64xf32, #tpu.memory_space<vmem>>
    %dma_start3A_66 = arith.constant 0 : i32
    %dma_start3A_67 = tpu.memref_slice %arg5[%dma_start3A_62, %dma_start3A_66] : memref<200x128xi32, #tpu.memory_space<vmem>> -> memref<1x128xi32, #tpu.memory_space<vmem>>
    %dma_start3A_68 = tpu.memref_squeeze %dma_start3A_67 : memref<1x128xi32, #tpu.memory_space<vmem>> -> memref<128xi32, #tpu.memory_space<vmem>>
    %dma_start3A_69 = arith.constant 0 : i32
    %dma_start3A_70 = arith.constant 0 : i32
    %dma_start3A_71 = tpu.memref_slice %arg3[%dma_start3A_69, %dma_start3A_70] : memref<1000000x64xf32, #tpu.memory_space<hbm>> -> memref<1000000x64xf32, #tpu.memory_space<hbm>>
    tpu.enqueue_indirect_dma source(%dma_start3A_71 : memref<1000000x64xf32, #tpu.memory_space<hbm>>) target(%dma_start3A_65 : memref<128x64xf32, #tpu.memory_space<vmem>>) offsets(%dma_start3A_68 : memref<128xi32, #tpu.memory_space<vmem>>) semaphore(%arg13 : memref<!tpu.dma_semaphore, #tpu.memory_space<semaphore_mem>>)
    %dma_start3A_72 = arith.constant 7 : i32
    %dma_start3A_73 = arith.constant 128 : i32
    %dma_start3A_74 = arith.constant 0 : i32
    %dma_start3A_75 = tpu.memref_slice %arg9[%dma_start3A_73, %dma_start3A_74] : memref<256x64xf32, #tpu.memory_space<vmem>> -> memref<128x64xf32, #tpu.memory_space<vmem>>
    %dma_start3A_76 = arith.constant 0 : i32
    %dma_start3A_77 = tpu.memref_slice %arg5[%dma_start3A_72, %dma_start3A_76] : memref<200x128xi32, #tpu.memory_space<vmem>> -> memref<1x128xi32, #tpu.memory_space<vmem>>
    %dma_start3A_78 = tpu.memref_squeeze %dma_start3A_77 : memref<1x128xi32, #tpu.memory_space<vmem>> -> memref<128xi32, #tpu.memory_space<vmem>>
    %dma_start3A_79 = arith.constant 0 : i32
    %dma_start3A_80 = arith.constant 0 : i32
    %dma_start3A_81 = tpu.memref_slice %arg3[%dma_start3A_79, %dma_start3A_80] : memref<1000000x64xf32, #tpu.memory_space<hbm>> -> memref<1000000x64xf32, #tpu.memory_space<hbm>>
    tpu.enqueue_indirect_dma source(%dma_start3A_81 : memref<1000000x64xf32, #tpu.memory_space<hbm>>) target(%dma_start3A_75 : memref<128x64xf32, #tpu.memory_space<vmem>>) offsets(%dma_start3A_78 : memref<128xi32, #tpu.memory_space<vmem>>) semaphore(%arg13 : memref<!tpu.dma_semaphore, #tpu.memory_space<semaphore_mem>>)
    %dma_wait3A = arith.constant 0 : i32
    %dma_wait3A_82 = arith.constant 0 : i32
    %dma_wait3A_83 = tpu.memref_slice %arg4[%dma_wait3A, %dma_wait3A_82] : memref<819200x64xf32, #tpu.memory_space<hbm>> -> memref<256x64xf32, #tpu.memory_space<hbm>>
    %dma_wait3A_84 = arith.constant 0 : i32
    %dma_wait3A_85 = arith.constant 0 : i32
    %dma_wait3A_86 = tpu.memref_slice %arg4[%dma_wait3A_84, %dma_wait3A_85] : memref<819200x64xf32, #tpu.memory_space<hbm>> -> memref<256x64xf32, #tpu.memory_space<hbm>>
    tpu.wait_dma2 semaphore(%arg10 : memref<!tpu.dma_semaphore, #tpu.memory_space<semaphore_mem>>) src(%dma_wait3A_86 : memref<256x64xf32, #tpu.memory_space<hbm>>) dst(%arg6 : memref<256x64xf32, #tpu.memory_space<vmem>>)
    %add3A_87 = arith.constant 0 : i32
    %add3A_88 = arith.addi %mul3A_2, %add3A_87 : i32
    %dma_start3A_89 = arith.constant 0 : i32
    %dma_start3A_90 = tpu.memref_slice %arg4[%add3A_88, %dma_start3A_89] : memref<819200x64xf32, #tpu.memory_space<hbm>> -> memref<256x64xf32, #tpu.memory_space<hbm>>
    %dma_start3A_91 = arith.constant 0 : i32
    %dma_start3A_92 = tpu.memref_slice %arg4[%add3A_88, %dma_start3A_91] : memref<819200x64xf32, #tpu.memory_space<hbm>> -> memref<256x64xf32, #tpu.memory_space<hbm>>
    tpu.enqueue_dma source(%arg6 : memref<256x64xf32, #tpu.memory_space<vmem>>) target(%dma_start3A_92 : memref<256x64xf32, #tpu.memory_space<hbm>>) target_semaphore(%arg14 : memref<!tpu.dma_semaphore, #tpu.memory_space<semaphore_mem>>)
    %dma_wait3A_93 = arith.constant 0 : i32
    %dma_wait3A_94 = arith.constant 0 : i32
    %dma_wait3A_95 = tpu.memref_slice %arg4[%dma_wait3A_93, %dma_wait3A_94] : memref<819200x64xf32, #tpu.memory_space<hbm>> -> memref<256x64xf32, #tpu.memory_space<hbm>>
    %dma_wait3A_96 = arith.constant 0 : i32
    %dma_wait3A_97 = arith.constant 0 : i32
    %dma_wait3A_98 = tpu.memref_slice %arg4[%dma_wait3A_96, %dma_wait3A_97] : memref<819200x64xf32, #tpu.memory_space<hbm>> -> memref<256x64xf32, #tpu.memory_space<hbm>>
    tpu.wait_dma2 semaphore(%arg11 : memref<!tpu.dma_semaphore, #tpu.memory_space<semaphore_mem>>) src(%dma_wait3A_98 : memref<256x64xf32, #tpu.memory_space<hbm>>) dst(%arg7 : memref<256x64xf32, #tpu.memory_space<vmem>>)
    %add3A_99 = arith.constant 256 : i32
    %add3A_100 = arith.addi %mul3A_2, %add3A_99 : i32
    %dma_start3A_101 = arith.constant 0 : i32
    %dma_start3A_102 = tpu.memref_slice %arg4[%add3A_100, %dma_start3A_101] : memref<819200x64xf32, #tpu.memory_space<hbm>> -> memref<256x64xf32, #tpu.memory_space<hbm>>
    %dma_start3A_103 = arith.constant 0 : i32
    %dma_start3A_104 = tpu.memref_slice %arg4[%add3A_100, %dma_start3A_103] : memref<819200x64xf32, #tpu.memory_space<hbm>> -> memref<256x64xf32, #tpu.memory_space<hbm>>
    tpu.enqueue_dma source(%arg7 : memref<256x64xf32, #tpu.memory_space<vmem>>) target(%dma_start3A_104 : memref<256x64xf32, #tpu.memory_space<hbm>>) target_semaphore(%arg15 : memref<!tpu.dma_semaphore, #tpu.memory_space<semaphore_mem>>)
    %dma_wait3A_105 = arith.constant 0 : i32
    %dma_wait3A_106 = arith.constant 0 : i32
    %dma_wait3A_107 = tpu.memref_slice %arg4[%dma_wait3A_105, %dma_wait3A_106] : memref<819200x64xf32, #tpu.memory_space<hbm>> -> memref<256x64xf32, #tpu.memory_space<hbm>>
    %dma_wait3A_108 = arith.constant 0 : i32
    %dma_wait3A_109 = arith.constant 0 : i32
    %dma_wait3A_110 = tpu.memref_slice %arg4[%dma_wait3A_108, %dma_wait3A_109] : memref<819200x64xf32, #tpu.memory_space<hbm>> -> memref<256x64xf32, #tpu.memory_space<hbm>>
    tpu.wait_dma2 semaphore(%arg12 : memref<!tpu.dma_semaphore, #tpu.memory_space<semaphore_mem>>) src(%dma_wait3A_110 : memref<256x64xf32, #tpu.memory_space<hbm>>) dst(%arg8 : memref<256x64xf32, #tpu.memory_space<vmem>>)
    %add3A_111 = arith.constant 512 : i32
    %add3A_112 = arith.addi %mul3A_2, %add3A_111 : i32
    %dma_start3A_113 = arith.constant 0 : i32
    %dma_start3A_114 = tpu.memref_slice %arg4[%add3A_112, %dma_start3A_113] : memref<819200x64xf32, #tpu.memory_space<hbm>> -> memref<256x64xf32, #tpu.memory_space<hbm>>
    %dma_start3A_115 = arith.constant 0 : i32
    %dma_start3A_116 = tpu.memref_slice %arg4[%add3A_112, %dma_start3A_115] : memref<819200x64xf32, #tpu.memory_space<hbm>> -> memref<256x64xf32, #tpu.memory_space<hbm>>
    tpu.enqueue_dma source(%arg8 : memref<256x64xf32, #tpu.memory_space<vmem>>) target(%dma_start3A_116 : memref<256x64xf32, #tpu.memory_space<hbm>>) target_semaphore(%arg16 : memref<!tpu.dma_semaphore, #tpu.memory_space<semaphore_mem>>)
    %scan3A = arith.constant 0 : i32
    %scan3A_117 = arith.constant 1 : i32
    %scan3A_118 = arith.constant 24 : i32
    %scan3A_119 = arith.addi %scan3A_117, %scan3A_118 : i32
    %scan3A_120 = arith.constant 1 : i32
    scf.for %scan3A_150 = %scan3A_117 to %scan3A_119 step %scan3A_120  : i32 {
      %mul3A_151 = arith.constant 4 : i32
      %mul3A_152 = arith.muli %mul3A_151, %scan3A_150 : i32
      %add3A_153 = arith.constant 0 : i32
      %add3A_154 = arith.addi %mul3A_152, %add3A_153 : i32
      %dma_wait3A_155 = arith.constant 0 : i32
      %dma_wait3A_156 = tpu.memref_slice %arg4[%mul3A_2, %dma_wait3A_155] : memref<819200x64xf32, #tpu.memory_space<hbm>> -> memref<256x64xf32, #tpu.memory_space<hbm>>
      %dma_wait3A_157 = arith.constant 0 : i32
      %dma_wait3A_158 = tpu.memref_slice %arg4[%mul3A_2, %dma_wait3A_157] : memref<819200x64xf32, #tpu.memory_space<hbm>> -> memref<256x64xf32, #tpu.memory_space<hbm>>
      tpu.wait_dma2 semaphore(%arg14 : memref<!tpu.dma_semaphore, #tpu.memory_space<semaphore_mem>>) src(%arg6 : memref<256x64xf32, #tpu.memory_space<vmem>>) dst(%dma_wait3A_158 : memref<256x64xf32, #tpu.memory_space<hbm>>)
      %mul3A_159 = arith.constant 2 : i32
      %mul3A_160 = arith.muli %mul3A_159, %add3A_154 : i32
      %add3A_161 = arith.constant 0 : i32
      %add3A_162 = arith.addi %mul3A_160, %add3A_161 : i32
      %dma_start3A_163 = arith.constant 0 : i32
      %dma_start3A_164 = arith.constant 0 : i32
      %dma_start3A_165 = tpu.memref_slice %arg6[%dma_start3A_163, %dma_start3A_164] : memref<256x64xf32, #tpu.memory_space<vmem>> -> memref<128x64xf32, #tpu.memory_space<vmem>>
      %dma_start3A_166 = arith.constant 0 : i32
      %dma_start3A_167 = tpu.memref_slice %arg5[%add3A_162, %dma_start3A_166] : memref<200x128xi32, #tpu.memory_space<vmem>> -> memref<1x128xi32, #tpu.memory_space<vmem>>
      %dma_start3A_168 = tpu.memref_squeeze %dma_start3A_167 : memref<1x128xi32, #tpu.memory_space<vmem>> -> memref<128xi32, #tpu.memory_space<vmem>>
      %dma_start3A_169 = arith.constant 0 : i32
      %dma_start3A_170 = arith.constant 0 : i32
      %dma_start3A_171 = tpu.memref_slice %arg3[%dma_start3A_169, %dma_start3A_170] : memref<1000000x64xf32, #tpu.memory_space<hbm>> -> memref<1000000x64xf32, #tpu.memory_space<hbm>>
      tpu.enqueue_indirect_dma source(%dma_start3A_171 : memref<1000000x64xf32, #tpu.memory_space<hbm>>) target(%dma_start3A_165 : memref<128x64xf32, #tpu.memory_space<vmem>>) offsets(%dma_start3A_168 : memref<128xi32, #tpu.memory_space<vmem>>) semaphore(%arg10 : memref<!tpu.dma_semaphore, #tpu.memory_space<semaphore_mem>>)
      %mul3A_172 = arith.constant 2 : i32
      %mul3A_173 = arith.muli %mul3A_172, %add3A_154 : i32
      %add3A_174 = arith.constant 1 : i32
      %add3A_175 = arith.addi %mul3A_173, %add3A_174 : i32
      %dma_start3A_176 = arith.constant 128 : i32
      %dma_start3A_177 = arith.constant 0 : i32
      %dma_start3A_178 = tpu.memref_slice %arg6[%dma_start3A_176, %dma_start3A_177] : memref<256x64xf32, #tpu.memory_space<vmem>> -> memref<128x64xf32, #tpu.memory_space<vmem>>
      %dma_start3A_179 = arith.constant 0 : i32
      %dma_start3A_180 = tpu.memref_slice %arg5[%add3A_175, %dma_start3A_179] : memref<200x128xi32, #tpu.memory_space<vmem>> -> memref<1x128xi32, #tpu.memory_space<vmem>>
      %dma_start3A_181 = tpu.memref_squeeze %dma_start3A_180 : memref<1x128xi32, #tpu.memory_space<vmem>> -> memref<128xi32, #tpu.memory_space<vmem>>
      %dma_start3A_182 = arith.constant 0 : i32
      %dma_start3A_183 = arith.constant 0 : i32
      %dma_start3A_184 = tpu.memref_slice %arg3[%dma_start3A_182, %dma_start3A_183] : memref<1000000x64xf32, #tpu.memory_space<hbm>> -> memref<1000000x64xf32, #tpu.memory_space<hbm>>
      tpu.enqueue_indirect_dma source(%dma_start3A_184 : memref<1000000x64xf32, #tpu.memory_space<hbm>>) target(%dma_start3A_178 : memref<128x64xf32, #tpu.memory_space<vmem>>) offsets(%dma_start3A_181 : memref<128xi32, #tpu.memory_space<vmem>>) semaphore(%arg10 : memref<!tpu.dma_semaphore, #tpu.memory_space<semaphore_mem>>)
      %dma_wait3A_185 = arith.constant 0 : i32
      %dma_wait3A_186 = arith.constant 0 : i32
      %dma_wait3A_187 = tpu.memref_slice %arg4[%dma_wait3A_185, %dma_wait3A_186] : memref<819200x64xf32, #tpu.memory_space<hbm>> -> memref<256x64xf32, #tpu.memory_space<hbm>>
      %dma_wait3A_188 = arith.constant 0 : i32
      %dma_wait3A_189 = arith.constant 0 : i32
      %dma_wait3A_190 = tpu.memref_slice %arg4[%dma_wait3A_188, %dma_wait3A_189] : memref<819200x64xf32, #tpu.memory_space<hbm>> -> memref<256x64xf32, #tpu.memory_space<hbm>>
      tpu.wait_dma2 semaphore(%arg13 : memref<!tpu.dma_semaphore, #tpu.memory_space<semaphore_mem>>) src(%dma_wait3A_190 : memref<256x64xf32, #tpu.memory_space<hbm>>) dst(%arg9 : memref<256x64xf32, #tpu.memory_space<vmem>>)
      %sub3A = arith.constant 1 : i32
      %sub3A_191 = arith.subi %add3A_154, %sub3A : i32
      %mul3A_192 = arith.constant 256 : i32
      %mul3A_193 = arith.muli %sub3A_191, %mul3A_192 : i32
      %add3A_194 = arith.addi %mul3A_2, %mul3A_193 : i32
      %dma_start3A_195 = arith.constant 0 : i32
      %dma_start3A_196 = tpu.memref_slice %arg4[%add3A_194, %dma_start3A_195] : memref<819200x64xf32, #tpu.memory_space<hbm>> -> memref<256x64xf32, #tpu.memory_space<hbm>>
      %dma_start3A_197 = arith.constant 0 : i32
      %dma_start3A_198 = tpu.memref_slice %arg4[%add3A_194, %dma_start3A_197] : memref<819200x64xf32, #tpu.memory_space<hbm>> -> memref<256x64xf32, #tpu.memory_space<hbm>>
      tpu.enqueue_dma source(%arg9 : memref<256x64xf32, #tpu.memory_space<vmem>>) target(%dma_start3A_198 : memref<256x64xf32, #tpu.memory_space<hbm>>) target_semaphore(%arg17 : memref<!tpu.dma_semaphore, #tpu.memory_space<semaphore_mem>>)
      %mul3A_199 = arith.constant 4 : i32
      %mul3A_200 = arith.muli %mul3A_199, %scan3A_150 : i32
      %add3A_201 = arith.constant 1 : i32
      %add3A_202 = arith.addi %mul3A_200, %add3A_201 : i32
      %dma_wait3A_203 = arith.constant 0 : i32
      %dma_wait3A_204 = tpu.memref_slice %arg4[%mul3A_2, %dma_wait3A_203] : memref<819200x64xf32, #tpu.memory_space<hbm>> -> memref<256x64xf32, #tpu.memory_space<hbm>>
      %dma_wait3A_205 = arith.constant 0 : i32
      %dma_wait3A_206 = tpu.memref_slice %arg4[%mul3A_2, %dma_wait3A_205] : memref<819200x64xf32, #tpu.memory_space<hbm>> -> memref<256x64xf32, #tpu.memory_space<hbm>>
      tpu.wait_dma2 semaphore(%arg15 : memref<!tpu.dma_semaphore, #tpu.memory_space<semaphore_mem>>) src(%arg7 : memref<256x64xf32, #tpu.memory_space<vmem>>) dst(%dma_wait3A_206 : memref<256x64xf32, #tpu.memory_space<hbm>>)
      %mul3A_207 = arith.constant 2 : i32
      %mul3A_208 = arith.muli %mul3A_207, %add3A_202 : i32
      %add3A_209 = arith.constant 0 : i32
      %add3A_210 = arith.addi %mul3A_208, %add3A_209 : i32
      %dma_start3A_211 = arith.constant 0 : i32
      %dma_start3A_212 = arith.constant 0 : i32
      %dma_start3A_213 = tpu.memref_slice %arg7[%dma_start3A_211, %dma_start3A_212] : memref<256x64xf32, #tpu.memory_space<vmem>> -> memref<128x64xf32, #tpu.memory_space<vmem>>
      %dma_start3A_214 = arith.constant 0 : i32
      %dma_start3A_215 = tpu.memref_slice %arg5[%add3A_210, %dma_start3A_214] : memref<200x128xi32, #tpu.memory_space<vmem>> -> memref<1x128xi32, #tpu.memory_space<vmem>>
      %dma_start3A_216 = tpu.memref_squeeze %dma_start3A_215 : memref<1x128xi32, #tpu.memory_space<vmem>> -> memref<128xi32, #tpu.memory_space<vmem>>
      %dma_start3A_217 = arith.constant 0 : i32
      %dma_start3A_218 = arith.constant 0 : i32
      %dma_start3A_219 = tpu.memref_slice %arg3[%dma_start3A_217, %dma_start3A_218] : memref<1000000x64xf32, #tpu.memory_space<hbm>> -> memref<1000000x64xf32, #tpu.memory_space<hbm>>
      tpu.enqueue_indirect_dma source(%dma_start3A_219 : memref<1000000x64xf32, #tpu.memory_space<hbm>>) target(%dma_start3A_213 : memref<128x64xf32, #tpu.memory_space<vmem>>) offsets(%dma_start3A_216 : memref<128xi32, #tpu.memory_space<vmem>>) semaphore(%arg11 : memref<!tpu.dma_semaphore, #tpu.memory_space<semaphore_mem>>)
      %mul3A_220 = arith.constant 2 : i32
      %mul3A_221 = arith.muli %mul3A_220, %add3A_202 : i32
      %add3A_222 = arith.constant 1 : i32
      %add3A_223 = arith.addi %mul3A_221, %add3A_222 : i32
      %dma_start3A_224 = arith.constant 128 : i32
      %dma_start3A_225 = arith.constant 0 : i32
      %dma_start3A_226 = tpu.memref_slice %arg7[%dma_start3A_224, %dma_start3A_225] : memref<256x64xf32, #tpu.memory_space<vmem>> -> memref<128x64xf32, #tpu.memory_space<vmem>>
      %dma_start3A_227 = arith.constant 0 : i32
      %dma_start3A_228 = tpu.memref_slice %arg5[%add3A_223, %dma_start3A_227] : memref<200x128xi32, #tpu.memory_space<vmem>> -> memref<1x128xi32, #tpu.memory_space<vmem>>
      %dma_start3A_229 = tpu.memref_squeeze %dma_start3A_228 : memref<1x128xi32, #tpu.memory_space<vmem>> -> memref<128xi32, #tpu.memory_space<vmem>>
      %dma_start3A_230 = arith.constant 0 : i32
      %dma_start3A_231 = arith.constant 0 : i32
      %dma_start3A_232 = tpu.memref_slice %arg3[%dma_start3A_230, %dma_start3A_231] : memref<1000000x64xf32, #tpu.memory_space<hbm>> -> memref<1000000x64xf32, #tpu.memory_space<hbm>>
      tpu.enqueue_indirect_dma source(%dma_start3A_232 : memref<1000000x64xf32, #tpu.memory_space<hbm>>) target(%dma_start3A_226 : memref<128x64xf32, #tpu.memory_space<vmem>>) offsets(%dma_start3A_229 : memref<128xi32, #tpu.memory_space<vmem>>) semaphore(%arg11 : memref<!tpu.dma_semaphore, #tpu.memory_space<semaphore_mem>>)
      %dma_wait3A_233 = arith.constant 0 : i32
      %dma_wait3A_234 = arith.constant 0 : i32
      %dma_wait3A_235 = tpu.memref_slice %arg4[%dma_wait3A_233, %dma_wait3A_234] : memref<819200x64xf32, #tpu.memory_space<hbm>> -> memref<256x64xf32, #tpu.memory_space<hbm>>
      %dma_wait3A_236 = arith.constant 0 : i32
      %dma_wait3A_237 = arith.constant 0 : i32
      %dma_wait3A_238 = tpu.memref_slice %arg4[%dma_wait3A_236, %dma_wait3A_237] : memref<819200x64xf32, #tpu.memory_space<hbm>> -> memref<256x64xf32, #tpu.memory_space<hbm>>
      tpu.wait_dma2 semaphore(%arg10 : memref<!tpu.dma_semaphore, #tpu.memory_space<semaphore_mem>>) src(%dma_wait3A_238 : memref<256x64xf32, #tpu.memory_space<hbm>>) dst(%arg6 : memref<256x64xf32, #tpu.memory_space<vmem>>)
      %sub3A_239 = arith.constant 1 : i32
      %sub3A_240 = arith.subi %add3A_202, %sub3A_239 : i32
      %mul3A_241 = arith.constant 256 : i32
      %mul3A_242 = arith.muli %sub3A_240, %mul3A_241 : i32
      %add3A_243 = arith.addi %mul3A_2, %mul3A_242 : i32
      %dma_start3A_244 = arith.constant 0 : i32
      %dma_start3A_245 = tpu.memref_slice %arg4[%add3A_243, %dma_start3A_244] : memref<819200x64xf32, #tpu.memory_space<hbm>> -> memref<256x64xf32, #tpu.memory_space<hbm>>
      %dma_start3A_246 = arith.constant 0 : i32
      %dma_start3A_247 = tpu.memref_slice %arg4[%add3A_243, %dma_start3A_246] : memref<819200x64xf32, #tpu.memory_space<hbm>> -> memref<256x64xf32, #tpu.memory_space<hbm>>
      tpu.enqueue_dma source(%arg6 : memref<256x64xf32, #tpu.memory_space<vmem>>) target(%dma_start3A_247 : memref<256x64xf32, #tpu.memory_space<hbm>>) target_semaphore(%arg14 : memref<!tpu.dma_semaphore, #tpu.memory_space<semaphore_mem>>)
      %mul3A_248 = arith.constant 4 : i32
      %mul3A_249 = arith.muli %mul3A_248, %scan3A_150 : i32
      %add3A_250 = arith.constant 2 : i32
      %add3A_251 = arith.addi %mul3A_249, %add3A_250 : i32
      %dma_wait3A_252 = arith.constant 0 : i32
      %dma_wait3A_253 = tpu.memref_slice %arg4[%mul3A_2, %dma_wait3A_252] : memref<819200x64xf32, #tpu.memory_space<hbm>> -> memref<256x64xf32, #tpu.memory_space<hbm>>
      %dma_wait3A_254 = arith.constant 0 : i32
      %dma_wait3A_255 = tpu.memref_slice %arg4[%mul3A_2, %dma_wait3A_254] : memref<819200x64xf32, #tpu.memory_space<hbm>> -> memref<256x64xf32, #tpu.memory_space<hbm>>
      tpu.wait_dma2 semaphore(%arg16 : memref<!tpu.dma_semaphore, #tpu.memory_space<semaphore_mem>>) src(%arg8 : memref<256x64xf32, #tpu.memory_space<vmem>>) dst(%dma_wait3A_255 : memref<256x64xf32, #tpu.memory_space<hbm>>)
      %mul3A_256 = arith.constant 2 : i32
      %mul3A_257 = arith.muli %mul3A_256, %add3A_251 : i32
      %add3A_258 = arith.constant 0 : i32
      %add3A_259 = arith.addi %mul3A_257, %add3A_258 : i32
      %dma_start3A_260 = arith.constant 0 : i32
      %dma_start3A_261 = arith.constant 0 : i32
      %dma_start3A_262 = tpu.memref_slice %arg8[%dma_start3A_260, %dma_start3A_261] : memref<256x64xf32, #tpu.memory_space<vmem>> -> memref<128x64xf32, #tpu.memory_space<vmem>>
      %dma_start3A_263 = arith.constant 0 : i32
      %dma_start3A_264 = tpu.memref_slice %arg5[%add3A_259, %dma_start3A_263] : memref<200x128xi32, #tpu.memory_space<vmem>> -> memref<1x128xi32, #tpu.memory_space<vmem>>
      %dma_start3A_265 = tpu.memref_squeeze %dma_start3A_264 : memref<1x128xi32, #tpu.memory_space<vmem>> -> memref<128xi32, #tpu.memory_space<vmem>>
      %dma_start3A_266 = arith.constant 0 : i32
      %dma_start3A_267 = arith.constant 0 : i32
      %dma_start3A_268 = tpu.memref_slice %arg3[%dma_start3A_266, %dma_start3A_267] : memref<1000000x64xf32, #tpu.memory_space<hbm>> -> memref<1000000x64xf32, #tpu.memory_space<hbm>>
      tpu.enqueue_indirect_dma source(%dma_start3A_268 : memref<1000000x64xf32, #tpu.memory_space<hbm>>) target(%dma_start3A_262 : memref<128x64xf32, #tpu.memory_space<vmem>>) offsets(%dma_start3A_265 : memref<128xi32, #tpu.memory_space<vmem>>) semaphore(%arg12 : memref<!tpu.dma_semaphore, #tpu.memory_space<semaphore_mem>>)
      %mul3A_269 = arith.constant 2 : i32
      %mul3A_270 = arith.muli %mul3A_269, %add3A_251 : i32
      %add3A_271 = arith.constant 1 : i32
      %add3A_272 = arith.addi %mul3A_270, %add3A_271 : i32
      %dma_start3A_273 = arith.constant 128 : i32
      %dma_start3A_274 = arith.constant 0 : i32
      %dma_start3A_275 = tpu.memref_slice %arg8[%dma_start3A_273, %dma_start3A_274] : memref<256x64xf32, #tpu.memory_space<vmem>> -> memref<128x64xf32, #tpu.memory_space<vmem>>
      %dma_start3A_276 = arith.constant 0 : i32
      %dma_start3A_277 = tpu.memref_slice %arg5[%add3A_272, %dma_start3A_276] : memref<200x128xi32, #tpu.memory_space<vmem>> -> memref<1x128xi32, #tpu.memory_space<vmem>>
      %dma_start3A_278 = tpu.memref_squeeze %dma_start3A_277 : memref<1x128xi32, #tpu.memory_space<vmem>> -> memref<128xi32, #tpu.memory_space<vmem>>
      %dma_start3A_279 = arith.constant 0 : i32
      %dma_start3A_280 = arith.constant 0 : i32
      %dma_start3A_281 = tpu.memref_slice %arg3[%dma_start3A_279, %dma_start3A_280] : memref<1000000x64xf32, #tpu.memory_space<hbm>> -> memref<1000000x64xf32, #tpu.memory_space<hbm>>
      tpu.enqueue_indirect_dma source(%dma_start3A_281 : memref<1000000x64xf32, #tpu.memory_space<hbm>>) target(%dma_start3A_275 : memref<128x64xf32, #tpu.memory_space<vmem>>) offsets(%dma_start3A_278 : memref<128xi32, #tpu.memory_space<vmem>>) semaphore(%arg12 : memref<!tpu.dma_semaphore, #tpu.memory_space<semaphore_mem>>)
      %dma_wait3A_282 = arith.constant 0 : i32
      %dma_wait3A_283 = arith.constant 0 : i32
      %dma_wait3A_284 = tpu.memref_slice %arg4[%dma_wait3A_282, %dma_wait3A_283] : memref<819200x64xf32, #tpu.memory_space<hbm>> -> memref<256x64xf32, #tpu.memory_space<hbm>>
      %dma_wait3A_285 = arith.constant 0 : i32
      %dma_wait3A_286 = arith.constant 0 : i32
      %dma_wait3A_287 = tpu.memref_slice %arg4[%dma_wait3A_285, %dma_wait3A_286] : memref<819200x64xf32, #tpu.memory_space<hbm>> -> memref<256x64xf32, #tpu.memory_space<hbm>>
      tpu.wait_dma2 semaphore(%arg11 : memref<!tpu.dma_semaphore, #tpu.memory_space<semaphore_mem>>) src(%dma_wait3A_287 : memref<256x64xf32, #tpu.memory_space<hbm>>) dst(%arg7 : memref<256x64xf32, #tpu.memory_space<vmem>>)
      %sub3A_288 = arith.constant 1 : i32
      %sub3A_289 = arith.subi %add3A_251, %sub3A_288 : i32
      %mul3A_290 = arith.constant 256 : i32
      %mul3A_291 = arith.muli %sub3A_289, %mul3A_290 : i32
      %add3A_292 = arith.addi %mul3A_2, %mul3A_291 : i32
      %dma_start3A_293 = arith.constant 0 : i32
      %dma_start3A_294 = tpu.memref_slice %arg4[%add3A_292, %dma_start3A_293] : memref<819200x64xf32, #tpu.memory_space<hbm>> -> memref<256x64xf32, #tpu.memory_space<hbm>>
      %dma_start3A_295 = arith.constant 0 : i32
      %dma_start3A_296 = tpu.memref_slice %arg4[%add3A_292, %dma_start3A_295] : memref<819200x64xf32, #tpu.memory_space<hbm>> -> memref<256x64xf32, #tpu.memory_space<hbm>>
      tpu.enqueue_dma source(%arg7 : memref<256x64xf32, #tpu.memory_space<vmem>>) target(%dma_start3A_296 : memref<256x64xf32, #tpu.memory_space<hbm>>) target_semaphore(%arg15 : memref<!tpu.dma_semaphore, #tpu.memory_space<semaphore_mem>>)
      %mul3A_297 = arith.constant 4 : i32
      %mul3A_298 = arith.muli %mul3A_297, %scan3A_150 : i32
      %add3A_299 = arith.constant 3 : i32
      %add3A_300 = arith.addi %mul3A_298, %add3A_299 : i32
      %dma_wait3A_301 = arith.constant 0 : i32
      %dma_wait3A_302 = tpu.memref_slice %arg4[%mul3A_2, %dma_wait3A_301] : memref<819200x64xf32, #tpu.memory_space<hbm>> -> memref<256x64xf32, #tpu.memory_space<hbm>>
      %dma_wait3A_303 = arith.constant 0 : i32
      %dma_wait3A_304 = tpu.memref_slice %arg4[%mul3A_2, %dma_wait3A_303] : memref<819200x64xf32, #tpu.memory_space<hbm>> -> memref<256x64xf32, #tpu.memory_space<hbm>>
      tpu.wait_dma2 semaphore(%arg17 : memref<!tpu.dma_semaphore, #tpu.memory_space<semaphore_mem>>) src(%arg9 : memref<256x64xf32, #tpu.memory_space<vmem>>) dst(%dma_wait3A_304 : memref<256x64xf32, #tpu.memory_space<hbm>>)
      %mul3A_305 = arith.constant 2 : i32
      %mul3A_306 = arith.muli %mul3A_305, %add3A_300 : i32
      %add3A_307 = arith.constant 0 : i32
      %add3A_308 = arith.addi %mul3A_306, %add3A_307 : i32
      %dma_start3A_309 = arith.constant 0 : i32
      %dma_start3A_310 = arith.constant 0 : i32
      %dma_start3A_311 = tpu.memref_slice %arg9[%dma_start3A_309, %dma_start3A_310] : memref<256x64xf32, #tpu.memory_space<vmem>> -> memref<128x64xf32, #tpu.memory_space<vmem>>
      %dma_start3A_312 = arith.constant 0 : i32
      %dma_start3A_313 = tpu.memref_slice %arg5[%add3A_308, %dma_start3A_312] : memref<200x128xi32, #tpu.memory_space<vmem>> -> memref<1x128xi32, #tpu.memory_space<vmem>>
      %dma_start3A_314 = tpu.memref_squeeze %dma_start3A_313 : memref<1x128xi32, #tpu.memory_space<vmem>> -> memref<128xi32, #tpu.memory_space<vmem>>
      %dma_start3A_315 = arith.constant 0 : i32
      %dma_start3A_316 = arith.constant 0 : i32
      %dma_start3A_317 = tpu.memref_slice %arg3[%dma_start3A_315, %dma_start3A_316] : memref<1000000x64xf32, #tpu.memory_space<hbm>> -> memref<1000000x64xf32, #tpu.memory_space<hbm>>
      tpu.enqueue_indirect_dma source(%dma_start3A_317 : memref<1000000x64xf32, #tpu.memory_space<hbm>>) target(%dma_start3A_311 : memref<128x64xf32, #tpu.memory_space<vmem>>) offsets(%dma_start3A_314 : memref<128xi32, #tpu.memory_space<vmem>>) semaphore(%arg13 : memref<!tpu.dma_semaphore, #tpu.memory_space<semaphore_mem>>)
      %mul3A_318 = arith.constant 2 : i32
      %mul3A_319 = arith.muli %mul3A_318, %add3A_300 : i32
      %add3A_320 = arith.constant 1 : i32
      %add3A_321 = arith.addi %mul3A_319, %add3A_320 : i32
      %dma_start3A_322 = arith.constant 128 : i32
      %dma_start3A_323 = arith.constant 0 : i32
      %dma_start3A_324 = tpu.memref_slice %arg9[%dma_start3A_322, %dma_start3A_323] : memref<256x64xf32, #tpu.memory_space<vmem>> -> memref<128x64xf32, #tpu.memory_space<vmem>>
      %dma_start3A_325 = arith.constant 0 : i32
      %dma_start3A_326 = tpu.memref_slice %arg5[%add3A_321, %dma_start3A_325] : memref<200x128xi32, #tpu.memory_space<vmem>> -> memref<1x128xi32, #tpu.memory_space<vmem>>
      %dma_start3A_327 = tpu.memref_squeeze %dma_start3A_326 : memref<1x128xi32, #tpu.memory_space<vmem>> -> memref<128xi32, #tpu.memory_space<vmem>>
      %dma_start3A_328 = arith.constant 0 : i32
      %dma_start3A_329 = arith.constant 0 : i32
      %dma_start3A_330 = tpu.memref_slice %arg3[%dma_start3A_328, %dma_start3A_329] : memref<1000000x64xf32, #tpu.memory_space<hbm>> -> memref<1000000x64xf32, #tpu.memory_space<hbm>>
      tpu.enqueue_indirect_dma source(%dma_start3A_330 : memref<1000000x64xf32, #tpu.memory_space<hbm>>) target(%dma_start3A_324 : memref<128x64xf32, #tpu.memory_space<vmem>>) offsets(%dma_start3A_327 : memref<128xi32, #tpu.memory_space<vmem>>) semaphore(%arg13 : memref<!tpu.dma_semaphore, #tpu.memory_space<semaphore_mem>>)
      %dma_wait3A_331 = arith.constant 0 : i32
      %dma_wait3A_332 = arith.constant 0 : i32
      %dma_wait3A_333 = tpu.memref_slice %arg4[%dma_wait3A_331, %dma_wait3A_332] : memref<819200x64xf32, #tpu.memory_space<hbm>> -> memref<256x64xf32, #tpu.memory_space<hbm>>
      %dma_wait3A_334 = arith.constant 0 : i32
      %dma_wait3A_335 = arith.constant 0 : i32
      %dma_wait3A_336 = tpu.memref_slice %arg4[%dma_wait3A_334, %dma_wait3A_335] : memref<819200x64xf32, #tpu.memory_space<hbm>> -> memref<256x64xf32, #tpu.memory_space<hbm>>
      tpu.wait_dma2 semaphore(%arg12 : memref<!tpu.dma_semaphore, #tpu.memory_space<semaphore_mem>>) src(%dma_wait3A_336 : memref<256x64xf32, #tpu.memory_space<hbm>>) dst(%arg8 : memref<256x64xf32, #tpu.memory_space<vmem>>)
      %sub3A_337 = arith.constant 1 : i32
      %sub3A_338 = arith.subi %add3A_300, %sub3A_337 : i32
      %mul3A_339 = arith.constant 256 : i32
      %mul3A_340 = arith.muli %sub3A_338, %mul3A_339 : i32
      %add3A_341 = arith.addi %mul3A_2, %mul3A_340 : i32
      %dma_start3A_342 = arith.constant 0 : i32
      %dma_start3A_343 = tpu.memref_slice %arg4[%add3A_341, %dma_start3A_342] : memref<819200x64xf32, #tpu.memory_space<hbm>> -> memref<256x64xf32, #tpu.memory_space<hbm>>
      %dma_start3A_344 = arith.constant 0 : i32
      %dma_start3A_345 = tpu.memref_slice %arg4[%add3A_341, %dma_start3A_344] : memref<819200x64xf32, #tpu.memory_space<hbm>> -> memref<256x64xf32, #tpu.memory_space<hbm>>
      tpu.enqueue_dma source(%arg8 : memref<256x64xf32, #tpu.memory_space<vmem>>) target(%dma_start3A_345 : memref<256x64xf32, #tpu.memory_space<hbm>>) target_semaphore(%arg16 : memref<!tpu.dma_semaphore, #tpu.memory_space<semaphore_mem>>)
    }
    %scan3A_121 = arith.constant 24 : i32
    %dma_wait3A_122 = arith.constant 0 : i32
    %dma_wait3A_123 = arith.constant 0 : i32
    %dma_wait3A_124 = tpu.memref_slice %arg4[%dma_wait3A_122, %dma_wait3A_123] : memref<819200x64xf32, #tpu.memory_space<hbm>> -> memref<256x64xf32, #tpu.memory_space<hbm>>
    %dma_wait3A_125 = arith.constant 0 : i32
    %dma_wait3A_126 = arith.constant 0 : i32
    %dma_wait3A_127 = tpu.memref_slice %arg4[%dma_wait3A_125, %dma_wait3A_126] : memref<819200x64xf32, #tpu.memory_space<hbm>> -> memref<256x64xf32, #tpu.memory_space<hbm>>
    tpu.wait_dma2 semaphore(%arg13 : memref<!tpu.dma_semaphore, #tpu.memory_space<semaphore_mem>>) src(%dma_wait3A_127 : memref<256x64xf32, #tpu.memory_space<hbm>>) dst(%arg9 : memref<256x64xf32, #tpu.memory_space<vmem>>)
    %add3A_128 = arith.constant 25344 : i32
    %add3A_129 = arith.addi %mul3A_2, %add3A_128 : i32
    %dma_start3A_130 = arith.constant 0 : i32
    %dma_start3A_131 = tpu.memref_slice %arg4[%add3A_129, %dma_start3A_130] : memref<819200x64xf32, #tpu.memory_space<hbm>> -> memref<256x64xf32, #tpu.memory_space<hbm>>
    %dma_start3A_132 = arith.constant 0 : i32
    %dma_start3A_133 = tpu.memref_slice %arg4[%add3A_129, %dma_start3A_132] : memref<819200x64xf32, #tpu.memory_space<hbm>> -> memref<256x64xf32, #tpu.memory_space<hbm>>
    tpu.enqueue_dma source(%arg9 : memref<256x64xf32, #tpu.memory_space<vmem>>) target(%dma_start3A_133 : memref<256x64xf32, #tpu.memory_space<hbm>>) target_semaphore(%arg17 : memref<!tpu.dma_semaphore, #tpu.memory_space<semaphore_mem>>)
    %dma_wait3A_134 = arith.constant 0 : i32
    %dma_wait3A_135 = tpu.memref_slice %arg4[%mul3A_2, %dma_wait3A_134] : memref<819200x64xf32, #tpu.memory_space<hbm>> -> memref<256x64xf32, #tpu.memory_space<hbm>>
    %dma_wait3A_136 = arith.constant 0 : i32
    %dma_wait3A_137 = tpu.memref_slice %arg4[%mul3A_2, %dma_wait3A_136] : memref<819200x64xf32, #tpu.memory_space<hbm>> -> memref<256x64xf32, #tpu.memory_space<hbm>>
    tpu.wait_dma2 semaphore(%arg14 : memref<!tpu.dma_semaphore, #tpu.memory_space<semaphore_mem>>) src(%arg6 : memref<256x64xf32, #tpu.memory_space<vmem>>) dst(%dma_wait3A_137 : memref<256x64xf32, #tpu.memory_space<hbm>>)
    %dma_wait3A_138 = arith.constant 0 : i32
    %dma_wait3A_139 = tpu.memref_slice %arg4[%mul3A_2, %dma_wait3A_138] : memref<819200x64xf32, #tpu.memory_space<hbm>> -> memref<256x64xf32, #tpu.memory_space<hbm>>
    %dma_wait3A_140 = arith.constant 0 : i32
    %dma_wait3A_141 = tpu.memref_slice %arg4[%mul3A_2, %dma_wait3A_140] : memref<819200x64xf32, #tpu.memory_space<hbm>> -> memref<256x64xf32, #tpu.memory_space<hbm>>
    tpu.wait_dma2 semaphore(%arg15 : memref<!tpu.dma_semaphore, #tpu.memory_space<semaphore_mem>>) src(%arg7 : memref<256x64xf32, #tpu.memory_space<vmem>>) dst(%dma_wait3A_141 : memref<256x64xf32, #tpu.memory_space<hbm>>)
    %dma_wait3A_142 = arith.constant 0 : i32
    %dma_wait3A_143 = tpu.memref_slice %arg4[%mul3A_2, %dma_wait3A_142] : memref<819200x64xf32, #tpu.memory_space<hbm>> -> memref<256x64xf32, #tpu.memory_space<hbm>>
    %dma_wait3A_144 = arith.constant 0 : i32
    %dma_wait3A_145 = tpu.memref_slice %arg4[%mul3A_2, %dma_wait3A_144] : memref<819200x64xf32, #tpu.memory_space<hbm>> -> memref<256x64xf32, #tpu.memory_space<hbm>>
    tpu.wait_dma2 semaphore(%arg16 : memref<!tpu.dma_semaphore, #tpu.memory_space<semaphore_mem>>) src(%arg8 : memref<256x64xf32, #tpu.memory_space<vmem>>) dst(%dma_wait3A_145 : memref<256x64xf32, #tpu.memory_space<hbm>>)
    %dma_wait3A_146 = arith.constant 0 : i32
    %dma_wait3A_147 = tpu.memref_slice %arg4[%mul3A_2, %dma_wait3A_146] : memref<819200x64xf32, #tpu.memory_space<hbm>> -> memref<256x64xf32, #tpu.memory_space<hbm>>
    %dma_wait3A_148 = arith.constant 0 : i32
    %dma_wait3A_149 = tpu.memref_slice %arg4[%mul3A_2, %dma_wait3A_148] : memref<819200x64xf32, #tpu.memory_space<hbm>> -> memref<256x64xf32, #tpu.memory_space<hbm>>
    tpu.wait_dma2 semaphore(%arg17 : memref<!tpu.dma_semaphore, #tpu.memory_space<semaphore_mem>>) src(%arg9 : memref<256x64xf32, #tpu.memory_space<vmem>>) dst(%dma_wait3A_149 : memref<256x64xf32, #tpu.memory_space<hbm>>)
    return
  }
}

</mosaic_0001>

<sc_bundles>
// kernel: kernel.3.cloned.1.call-start
scs
__scs_entry_jumppad:
0x0: {  	(pc) =	sbr.rel $0x88, $3  }
0x1: {  	(tag) =	ssettag $0x0;
	lr =	simm.s32 $0x1  }
0x2: {  	[smem:$0x3F9F] =	sst lr;
	_ =	strace $0xD0000000  }
0x3: {  	_ = 	snop  }
0x4: {  	_ = 	snop  }
0x5: {  	_ = 	snop  }
0x6: {  	_ = 	snop  }
0x7: {  	_ = 	snop  }
__scs_overlays_trampoline_lowered:
0x8: {  	[smem:$0x3FAE] =	sst s0  }
0x9: {  	[smem:$0x3FAF] =	sst s1  }
0xa: {  	[smem:$0x3FB0] =	sst s2  }
0xb: {  	[smem:$0x3FB1] =	sst s3  }
0xc: {  	[smem:$0x3FB2] =	sst s4  }
0xd: {  	[smem:$0x3FB3] =	sst s5  }
0xe: {  	[smem:$0x3FB4] =	sst s6  }
0xf: {  	[smem:$0x3FB5] =	sst s7  }
0x10: {  	[smem:$0x3FB6] =	sst s8  }
0x11: {  	[smem:$0x3FB7] =	sst s9;
	s0 =	simm.s32 @!p0 $0x0  }
0x12: {  	s1 =	sld [smem:$0x3F9D];
	s0 =	simm.s32 @p0 $0x1  }
0x13: {  	[smem:$0x3FB8] =	sst s0;
	s0 =	simm.s32 @!p1 $0x0  }
0x14: {  	s2 =	sld [smem:$0x3F9C];
	s0 =	simm.s32 @p1 $0x1  }
0x15: {  	[smem:$0x3FB9] =	sst s0;
	s0 =	simm.s32 @!p2 $0x0  }
0x16: {  	s3 =	sld [smem:$0x3FDB];
	s0 =	simm.s32 @p2 $0x1  }
0x17: {  	s4 =	simm.s32 $0x1BF5;
	[smem:$0x3FBB] =	sst s0  }
0x18: {  	s0 =	sld [smem:$0x3F9E];
	_ =	swait.ge [sflag:s4], $0x0  }
0x19: {  	s7 =	sld [smem:$0x3F9F]  }
0x1a: {  	s8 =	sadd.s32 $0xFFFFE003, lr  }
0x1b: {  	s9 =	sadd.s32 $0xFFFFFEF7, lr;
	s5 =	simm.s32 $0xFFFFFFFF;
	p2 =	slt.u32 s8, $0xFFFFF086  }
0x1c: {  	p1 =	slt.u32 s9, $0xF7A;
	s5 =	simm.s32 @!p2 $0x0  }
0x1d: {  	s5 =	simm.s32 @p1 $0x1;
	p0 =	seq.s32 s7, s2  }
0x1e: {  	s7 =	smul.u32 @!p0 $0xF7A, s2;
	p2 =	seq.s32 @!p0 s5, $0x0  }
0x1f: {  	s9 =	smul.u32 $0xF7A, s1;
	s8 =	simm.s32 @!p0 $0x1BF5;
	p2 =	por !p2, p0  }
0x20: {  	[sflag:s8] =	ssyncset.s32 @!p0 $0xFFFFF086;
	s6 =	sadd.s32 @!p0 s3, s7;
	s7 =	simm.s32 @!p0 $0x108  }
0x21: {  	s3 =	sadd.s32 s3, s9;
	s6 =	sadd.s32 @!p0 $0x88, s6;
	s7 =	simm.s32 @p2 $0x1082  }
0x22: {  	[simem:s7], [sflag:s8] =	dma.local @!p0 [hbm:s6], $0xF7A  }
0x23: {  	s9 =	sor.u32 $0xD0000000, s2;
	s6 =	simm.s32 $0x108;
	_ =	swait.ge @!p0 [sflag:s8], $0x0  }
0x24: {  	s3 =	sadd.s32 $0x88, s3;
	s6 =	simm.s32 @!p1 $0x1082;
	[sflag:s4] =	ssyncset.s32 $0xFFFFF086  }
0x25: {  	[simem:s6], [sflag:s4] =	dma.local [hbm:s3], $0xF7A  }
0x26: {  	[smem:$0x3F9F] =	sst s1;
	(tag) =	ssettag s2;
	_ =	strace s9  }
0x27: {  	s1 =	sld [smem:$0x3FAF]  }
0x28: {  	s2 =	sld [smem:$0x3FB0]  }
0x29: {  	s4 =	sld [smem:$0x3FB2]  }
0x2a: {  	p0 =	seq.s32 s5, $0x0;
	s5 =	sld [smem:$0x3FB3]  }
0x2b: {  	s6 =	sld [smem:$0x3FB4]  }
0x2c: {  	s7 =	sld [smem:$0x3FB5]  }
0x2d: {  	s3 =	simm.s32 $0x108;
	s8 =	sld [smem:$0x3FB6]  }
0x2e: {  	s3 =	simm.s32 @!p0 $0x1082;
	s9 =	sld [smem:$0x3FB7]  }
0x2f: {  	lr =	sadd.s32 s0, s3;
	s0 =	sld [smem:$0x3FAE]  }
0x30: {  	s3 =	sld [smem:$0x3FB1]  }
0x31: {  	[smem:$0x3FBA] =	sst s10  }
0x32: {  	s10 =	sld [smem:$0x3FB8];
	_ =	sdelay $0x3  }
0x33: {  	p0 =	seq.s32 s10, $0x1;
	s10 =	sld [smem:$0x3FBA];
	_ =	sdelay $0x3  }
0x34: {  	[smem:$0x3FBA] =	sst s10  }
0x35: {  	s10 =	sld [smem:$0x3FB9];
	_ =	sdelay $0x3  }
0x36: {  	p1 =	seq.s32 s10, $0x1;
	s10 =	sld [smem:$0x3FBA];
	_ =	sdelay $0x3  }
0x37: {  	[smem:$0x3FBA] =	sst s10  }
0x38: {  	s10 =	sld [smem:$0x3FBB]  }
0x39: {  	_ = 	snop;
	(pc) =	sbr.ind lr, $3  }
0x3a: {  	_ = 	snop  }
0x3b: {  	_ = 	snop  }
0x3c: {  	p2 =	seq.s32 s10, $0x1;
	s10 =	sld [smem:$0x3FBA]  }
0x3d: {  	_ =	shalt  }
0x3e: {  	_ =	shalt  }
0x3f: {  	_ =	shalt  }
0x40: {  	_ =	shalt  }
0x41: {  	_ =	shalt  }
0x42: {  	_ =	shalt  }
0x43: {  	_ =	shalt  }
0x44: {  	_ =	shalt  }
0x45: {  	_ =	shalt  }
0x46: {  	_ =	shalt  }
0x47: {  	_ =	shalt  }
0x48: {  	_ =	shalt  }
0x49: {  	_ =	shalt  }
0x4a: {  	_ =	shalt  }
0x4b: {  	_ =	shalt  }
0x4c: {  	_ =	shalt  }
0x4d: {  	_ =	shalt  }
0x4e: {  	_ =	shalt  }
0x4f: {  	_ =	shalt  }
0x50: {  	_ =	shalt  }
0x51: {  	_ =	shalt  }
0x52: {  	_ =	shalt  }
0x53: {  	_ =	shalt  }
0x54: {  	_ =	shalt  }
0x55: {  	_ =	shalt  }
0x56: {  	_ =	shalt  }
0x57: {  	_ =	shalt  }
0x58: {  	_ =	shalt  }
0x59: {  	_ =	shalt  }
0x5a: {  	_ =	shalt  }
0x5b: {  	_ =	shalt  }
0x5c: {  	_ =	shalt  }
0x5d: {  	_ =	shalt  }
0x5e: {  	_ =	shalt  }
0x5f: {  	_ =	shalt  }
0x60: {  	_ =	shalt  }
0x61: {  	_ =	shalt  }
0x62: {  	_ =	shalt  }
0x63: {  	_ =	shalt  }
0x64: {  	_ =	shalt  }
0x65: {  	_ =	shalt  }
0x66: {  	_ =	shalt  }
0x67: {  	_ =	shalt  }
0x68: {  	_ =	shalt  }
0x69: {  	_ =	shalt  }
0x6a: {  	_ =	shalt  }
0x6b: {  	_ =	shalt  }
0x6c: {  	_ =	shalt  }
0x6d: {  	_ =	shalt  }
0x6e: {  	_ =	shalt  }
0x6f: {  	_ =	shalt  }
0x70: {  	_ =	shalt  }
0x71: {  	_ =	shalt  }
0x72: {  	_ =	shalt  }
0x73: {  	_ =	shalt  }
0x74: {  	_ =	shalt  }
0x75: {  	_ =	shalt  }
0x76: {  	_ =	shalt  }
0x77: {  	_ =	shalt  }
0x78: {  	_ =	shalt  }
0x79: {  	_ =	shalt  }
0x7a: {  	_ =	shalt  }
0x7b: {  	_ =	shalt  }
0x7c: {  	_ =	shalt  }
0x7d: {  	_ =	shalt  }
0x7e: {  	_ =	shalt  }
0x7f: {  	_ =	shalt  }
0x80: {  	_ =	shalt  }
0x81: {  	_ =	shalt  }
0x82: {  	_ =	shalt  }
0x83: {  	_ =	shalt  }
0x84: {  	_ =	shalt  }
0x85: {  	_ =	shalt  }
0x86: {  	_ =	shalt  }
0x87: {  	_ =	shalt  }
.Lfunc_end0:
.L_simem_size_0:
called_computation.1_lowered:
.L_overlay_start_0:
0x88: {  	s2 =	sld [smem:$0x3FD9]  }
0x89: {  	s3 =	sld [smem:$0x3FFE];
	_ =	sdelay $0x1  }
0x8a: {  	s1 =	srdreg.scid  }
0x8b: {  	s0 =	sand.u32 $0x1, s1  }
0x8c: {  	s17 =	sshll.u32 s0, $0xA;
	s2 =	sadd.s32 s3, s2  }
0x8d: {  	s2 =	sadd.s32 s2, s17  }
0x8e: {  	[smem:$0x3FC6] =	sst s2  }
0x8f: {  	_ = 	snop  }
0x90: {  	s2 =	sld [smem:$0x3FD0];
	(tm) =	ssettm $0x1  }
0x91: {  	s18 =	sld [smem:$0x3FFB];
	_ =	sdelay $0x3  }
0x92: {  	_ =	strace s18  }
0x93: {  	s3 =	sld [smem:$0x3FFC];
	_ =	sdelay $0x3  }
0x94: {  	_ =	strace s3  }
0x95: {  	s3 =	sld [smem:$0x3FFD];
	_ =	sdelay $0x3  }
0x96: {  	_ =	strace s3  }
0x97: {  	_ =	strace $0x8FFFFFFF  }
0x98: {  	s19 =	sld [smem:$0x3FDB];
	_ =	sdelay $0x1  }
0x99: {  	s4 =	simm.s32 $_scs_section_size  }
0x9a: {  	s5 =	simm.s32 $_size__tile_overlayer_lowered;
	s6 =	simm.s32 $_tile_overlayer_lowered  }
0x9b: {  	s22 =	simm.s32 $0x1BFF;
	s21 =	sshll.u32 s6, $0x1;
	s3 =	sadd.s32 s4, s19  }
0x9c: {  	s7 =	simm.s32 $0x0;
	s20 =	sshll.u32 s5, $0x1;
	s5 =	sadd.s32 s21, s3  }
0x9d: {  	[timem:s7], [sflag:s22] =	dma.local [hbm:s5], s20  }
0x9e: {  	_ =	swait.ge [sflag:s22], s20  }
0x9f: {  	s4 =	ssub.s32 $0x0, s20;
	[sflag:s22] =	ssyncset.done $0x0  }
0xa0: {  	[sflag:s22] =	ssyncadd.s32 s4;
	_ =	sdelay $0x1  }
0xa1: {  	s23 =	simm.s32 $0x1B8B  }
0xa2: {  	_ =	swait.ge [sflag:s23], $0x1  }
0xa3: {  	[sflag:s23] =	ssyncset.done $0x0  }
0xa4: {  	s25 =	simm.s32 $0x1B8E;
	s24 =	sld [smem:$0x3FFE];
	[sflag:s23] =	ssyncadd.s32 $0xFFFFFFFF  }
0xa5: {  	s26 =	simm.s32 $execute0_lowered;
	[smem:$0x3FD2] =	sst s25  }
0xa6: {  	s5 =	sshll.u32 s26, $0x1;
	_ =	strace $0x80000046;
	[dreg:$0x1] =	wrdreg $0xFFFFFFFF  }
0xa7: {  	s28 =	simm.s32 $_size_execute0_lowered;
	s3 =	sadd.s32 s3, s5;
	[dreg:$0x0] =	wrdreg $0x0  }
0xa8: {  	s5 =	sshll.u32 s28, $0x1;
	[dreg:$0x2] =	wrdreg s3  }
0xa9: {  	[dreg:$0x3] =	wrdreg s5  }
0xaa: {  	[dreg:$0x4] =	wrdreg $0xC0  }
0xab: {  	_ =	task [dreg:s7], $0x5FFFF  }
0xac: {  	[dreg:$0x1] =	wrdreg $0xFFFFFFFF  }
0xad: {  	[dreg:$0x0] =	wrdreg $0x60  }
0xae: {  	[dreg:$0x2] =	wrdreg s24  }
0xaf: {  	[dreg:$0x3] =	wrdreg s2  }
0xb0: {  	[dreg:$0x4] =	wrdreg $0x9  }
0xb1: {  	_ =	task.clear_ibuf [dreg:s7], $0x5FFFF;
	_ =	strace $0x90000046  }
0xb2: {  	s29 =	simm.s32 $0x9;
	_ =	strace $0x80000048  }
0xb3: {  	_ =	swait.ge [sflag:s29], $0x1  }
0xb4: {  	[sflag:s29] =	ssyncadd.s32 $0xFFFFFFFF  }
0xb5: {  	_ =	strace $0x90000048  }
0xb6: {  	_ =	sfence  }
0xb7: {  	s30 =	sld [smem:$0x0];
	_ =	sdelay $0x2  }
0xb8: {  	s31 =	sshll.u32 s1, $0xD;
	s1 =	sshrl.u32 s1, $0x2  }
0xb9: {  	s3 =	sand.u32 $0x4000, s31;
	s1 =	sadd.s32 s1, s30  }
0xba: {  	s0 =	sor.u32 s3, s0;
	s1 =	sshll.u32 s1, $0x11  }
0xbb: {  	s0 =	sor.u32 s1, s0  }
0xbc: {  	s0 =	sadd.s32 $0x8F2B, s0  }
0xbd: {  	[sflag:s0] =	ssyncadd.remote.s32 $0x1  }
0xbe: {  	_ =	sfence.sel $0xFFFF  }
0xbf: {  	[dreg:$0x0] =	wrdreg $0xFFFFFFFF;
	(pc) =	sbr.abs _section_cstart, $3  }
0xc0: {  	[dreg:$0x1] =	wrdreg $0xFFFFFFFF  }
0xc1: {  	_ =	task.clear_ibuf [dreg:s7], $0x2FFFF;
	_ =	strace $0x9FFFFFFF  }
0xc2: {  	(tm) =	ssettm $0x7FFFFFFF  }
0xc3: {  	_ =	shalt  }
tec
execute0_lowered:
.L_overlay_start_1:
0x0: {  	(tag) =	ssettag $0x1  }
0x1: {  	s0 =	rddreg [dreg:$0x0];
	s10 =	stileid.u32  }
0x2: {  	s1 =	srdreg.scid;
	s9 =	smul.u32 $0x320000, s10  }
0x3: {  	s2 =	rddreg [dreg:$0x1];
	s1 =	sand.u32 $0x1, s1;
	s19 =	smul.u32 $0x64000, s10  }
0x4: {  	s3 =	simm.s32 $0x0;
	s4 =	sshll.u32 s10, $0x1;
	s17 =	smul.u32 $0x190000, s1  }
0x5: {  	s4 =	sor.u32 s1, s4;
	s7 =	ssub.s32 $0x2, s1;
	s1 =	smul.u32 $0x32000, s1  }
0x6: {  	s29 =	simm.s32 $0x12400;
	s31 =	simm.s32 $0x14400;
	s5 =	smul.u32 $0xC80, s4  }
0x7: {  	s28 =	simm.s32 $0x7;
	[smem:$0x7FF] =	sst s3;
	s6 =	smul.u32 $0x32000, s4  }
0x8: {  	s30 =	simm.s32 $0x8;
	_ =	strace $0x80000047;
	s8 =	smul.u32 $0x190000, s4  }
0x9: {  	s4 =	sadd.s32 $0xF42E00, s0;
	s16 =	sshrl.u32 s7, $0x1;
	s23 =	sadd.s32 s1, s19  }
0xa: {  	s1 =	simm.s32 $0x1;
	s19 =	simm.s32 $0x3;
	s5 =	sadd.s32 s5, s0  }
0xb: {  	s0 =	ssub.s32 s7, s16;
	s11 =	sadd.s32 s2, s6;
	s18 =	sshrl.u32 s8, $0x3  }
0xc: {  	s16 =	simm.s32 $0x80;
	s5 =	sadd.s32 $0xA00, s5;
	[dreg:$0x4] =	wrdreg s11  }
0xd: {  	s20 =	sadd.s32 $0x800, s11;
	s6 =	sadd.s32 s2, s18;
	[dreg:$0x3] =	wrdreg s5  }
0xe: {  	s21 =	sadd.s32 $0x1000, s11;
	s0 =	smax.u32 s0, $0x1;
	[dreg:$0x5] =	wrdreg s20  }
0xf: {  	s18 =	simm.s32 $0x8400;
	[dreg:$0x6] =	wrdreg s21;
	s6 =	sadd.s32 $0x31800, s6  }
0x10: {  	s5 =	sadd.s32 s17, s9;
	[dreg:$0x8] =	wrdreg s0;
	s0 =	sadd.s32 s23, s2  }
0x11: {  	s17 =	simm.s32 $0x6400;
	s20 =	simm.s32 $0xA400;
	s21 =	simm.s32 $0x5  }
0x12: {  	s23 =	simm.s32 $0x4;
	[dreg:$0x7] =	wrdreg s6;
	s22 =	sadd.s32 $0x10000, s5  }
0x13: {  	s24 =	sadd.s32 $0x18000, s5;
	s0 =	sadd.s32 $0x1800, s0;
	[dreg:$0x9] =	wrdreg s22  }
0x14: {  	s5 =	sadd.s32 $0x14000, s5;
	[dreg:$0xa] =	wrdreg s0;
	s25 =	sshrl.u32 s24, $0x3  }
0x15: {  	s26 =	sshrl.u32 s5, $0x3;
	s22 =	simm.s32 $0xC400;
	s24 =	simm.s32 $0xE400  }
0x16: {  	s0 =	simm.s32 $0x2;
	s5 =	simm.s32 $0x0;
	s15 =	sadd.s32 s25, s2  }
0x17: {  	s14 =	sadd.s32 s26, s2;
	s26 =	simm.s32 $0x10400;
	s25 =	simm.s32 $0x6  }
.LBB2_1:
0x18: {  	s6 =	rddreg [dreg:$0x3];
	s7 =	simm.s32 $0x9  }
0x19: {  	[tilespmem:s3], [sflag:$0x9] =	stream.linear.gather [hbm4b:s6+s3], $0x6400, $0x38;
	[tilespmem:$0x16400] =	vst v63  }
0x1a: {  	_ =	swait.ge [sflag:s7], $0x6400  }
0x1b: {  	[sflag:s7] =	ssyncset.done $0x0  }
0x1c: {  	[sflag:s7] =	ssyncadd.s32 $0xFFFF9C00  }
0x1d: {  	[tilespmem:s17], [sflag:$0x1] =	stream.indirect.gather [hbm4b:s4+s16], $0x40, s3, s16, $0xb8;
	[tilespmem:$0x16400] =	vst v63  }
0x1e: {  	_ = 	snop  }
0x1f: {  	[tilespmem:s18], [sflag:$0x1] =	stream.indirect.gather [hbm4b:s4+s16], $0x40, s16, s16, $0xb8;
	[tilespmem:$0x16400] =	vst v63  }
0x20: {  	s8 =	simm.s32 $0x100  }
0x21: {  	[tilespmem:s20], [sflag:$0x2] =	stream.indirect.gather [hbm4b:s4+s16], $0x40, s8, s16, $0xb8;
	[tilespmem:$0x16400] =	vst v63  }
0x22: {  	s9 =	simm.s32 $0x180  }
0x23: {  	[tilespmem:s22], [sflag:$0x2] =	stream.indirect.gather [hbm4b:s4+s16], $0x40, s9, s16, $0xb8;
	[tilespmem:$0x16400] =	vst v63  }
0x24: {  	s10 =	simm.s32 $0x200  }
0x25: {  	[tilespmem:s24], [sflag:$0x3] =	stream.indirect.gather [hbm4b:s4+s16], $0x40, s10, s16, $0xb8;
	[tilespmem:$0x16400] =	vst v63  }
0x26: {  	s11 =	simm.s32 $0x280  }
0x27: {  	[tilespmem:s26], [sflag:$0x3] =	stream.indirect.gather [hbm4b:s4+s16], $0x40, s11, s16, $0xb8;
	[tilespmem:$0x16400] =	vst v63  }
0x28: {  	s12 =	simm.s32 $0x300  }
0x29: {  	[tilespmem:s29], [sflag:$0x4] =	stream.indirect.gather [hbm4b:s4+s16], $0x40, s12, s16, $0xb8;
	[tilespmem:$0x16400] =	vst v63  }
0x2a: {  	s13 =	simm.s32 $0x380  }
0x2b: {  	[tilespmem:s31], [sflag:$0x4] =	stream.indirect.gather [hbm4b:s4+s16], $0x40, s13, s16, $0xb8;
	[tilespmem:$0x16400] =	vst v63  }
0x2c: {  	_ =	swait.ge [sflag:s1], $0x4000  }
0x2d: {  	[sflag:s1] =	ssyncset.done $0x0  }
0x2e: {  	s7 =	rddreg [dreg:$0x4];
	[sflag:s1] =	ssyncadd.s32 $0xFFFFC000  }
0x2f: {  	[hbm4b:s7+s3] =	stream.linear.scatter [tilespmem:s17], [sflag:$0x5], $0x4000, $0x38;
	[tilespmem:$0x16400] =	vst v63  }
0x30: {  	_ =	swait.ge [sflag:s0], $0x4000  }
0x31: {  	[sflag:s0] =	ssyncset.done $0x0  }
0x32: {  	s8 =	rddreg [dreg:$0x5];
	[sflag:s0] =	ssyncadd.s32 $0xFFFFC000  }
0x33: {  	[hbm4b:s8+s3] =	stream.linear.scatter [tilespmem:s20], [sflag:$0x6], $0x4000, $0x38;
	[tilespmem:$0x16400] =	vst v63  }
0x34: {  	_ =	swait.ge [sflag:s19], $0x4000  }
0x35: {  	[sflag:s19] =	ssyncset.done $0x0  }
0x36: {  	s9 =	rddreg [dreg:$0x6];
	[sflag:s19] =	ssyncadd.s32 $0xFFFFC000  }
0x37: {  	[hbm4b:s9+s3] =	stream.linear.scatter [tilespmem:s24], [sflag:$0x7], $0x4000, $0x38;
	[tilespmem:$0x16400] =	vst v63  }
0x38: {  	_ =	swait.ge [sflag:s21], $0x4000  }
0x39: {  	[sflag:s21] =	ssyncset.done $0x0  }
0x3a: {  	s10 =	simm.s32 $0x400;
	[sflag:s21] =	ssyncadd.s32 $0xFFFFC000  }
0x3b: {  	[tilespmem:s17], [sflag:$0x1] =	stream.indirect.gather [hbm4b:s4+s16], $0x40, s10, s16, $0xb8;
	[tilespmem:$0x16400] =	vst v63  }
0x3c: {  	s11 =	simm.s32 $0x480  }
0x3d: {  	[tilespmem:s18], [sflag:$0x1] =	stream.indirect.gather [hbm4b:s4+s16], $0x40, s11, s16, $0xb8;
	[tilespmem:$0x16400] =	vst v63  }
0x3e: {  	_ =	swait.ge [sflag:s23], $0x4000  }
0x3f: {  	[sflag:s23] =	ssyncset.done $0x0  }
0x40: {  	s11 =	rddreg [dreg:$0xa];
	[sflag:s23] =	ssyncadd.s32 $0xFFFFC000  }
0x41: {  	[hbm4b:s11+s3] =	stream.linear.scatter [tilespmem:s29], [sflag:$0x8], $0x4000, $0x38;
	[tilespmem:$0x16400] =	vst v63  }
0x42: {  	_ =	swait.ge [sflag:s25], $0x4000  }
0x43: {  	[sflag:s25] =	ssyncset.done $0x0  }
0x44: {  	s12 =	simm.s32 $0x500;
	[sflag:s25] =	ssyncadd.s32 $0xFFFFC000  }
0x45: {  	[tilespmem:s20], [sflag:$0x2] =	stream.indirect.gather [hbm4b:s4+s16], $0x40, s12, s16, $0xb8;
	[tilespmem:$0x16400] =	vst v63  }
0x46: {  	s13 =	simm.s32 $0x580  }
0x47: {  	[tilespmem:s22], [sflag:$0x2] =	stream.indirect.gather [hbm4b:s4+s16], $0x40, s13, s16, $0xb8;
	[tilespmem:$0x16400] =	vst v63  }
0x48: {  	_ =	swait.ge [sflag:s1], $0x4000  }
0x49: {  	s10 =	rddreg [dreg:$0x9]  }
0x4a: {  	[sflag:s1] =	ssyncset.done $0x0;
	s7 =	sshrl.u32 s10, $0x3  }
0x4b: {  	[sflag:s1] =	ssyncadd.s32 $0xFFFFC000;
	s6 =	sadd.s32 s2, s7  }
0x4c: {  	[hbm4b:s6+s3] =	stream.linear.scatter [tilespmem:s17], [sflag:$0x5], $0x4000, $0x38;
	[tilespmem:$0x16400] =	vst v63  }
0x4d: {  	_ =	swait.ge [sflag:s28], $0x4000  }
0x4e: {  	[sflag:s28] =	ssyncset.done $0x0  }
0x4f: {  	s8 =	simm.s32 $0x600;
	[sflag:s28] =	ssyncadd.s32 $0xFFFFC000  }
0x50: {  	[tilespmem:s24], [sflag:$0x3] =	stream.indirect.gather [hbm4b:s4+s16], $0x40, s8, s16, $0xb8;
	[tilespmem:$0x16400] =	vst v63  }
0x51: {  	s9 =	simm.s32 $0x680  }
0x52: {  	[tilespmem:s26], [sflag:$0x3] =	stream.indirect.gather [hbm4b:s4+s16], $0x40, s9, s16, $0xb8;
	[tilespmem:$0x16400] =	vst v63  }
0x53: {  	_ =	swait.ge [sflag:s0], $0x4000  }
0x54: {  	[sflag:s0] =	ssyncset.done $0x0  }
0x55: {  	[sflag:s0] =	ssyncadd.s32 $0xFFFFC000  }
0x56: {  	[hbm4b:s14+s3] =	stream.linear.scatter [tilespmem:s20], [sflag:$0x6], $0x4000, $0x38;
	[tilespmem:$0x16400] =	vst v63  }
0x57: {  	_ =	swait.ge [sflag:s30], $0x4000  }
0x58: {  	[sflag:s30] =	ssyncset.done $0x0  }
0x59: {  	s12 =	simm.s32 $0x700;
	[sflag:s30] =	ssyncadd.s32 $0xFFFFC000  }
0x5a: {  	[tilespmem:s29], [sflag:$0x4] =	stream.indirect.gather [hbm4b:s4+s16], $0x40, s12, s16, $0xb8;
	[tilespmem:$0x16400] =	vst v63  }
0x5b: {  	s13 =	simm.s32 $0x780  }
0x5c: {  	[tilespmem:s31], [sflag:$0x4] =	stream.indirect.gather [hbm4b:s4+s16], $0x40, s13, s16, $0xb8;
	[tilespmem:$0x16400] =	vst v63  }
0x5d: {  	s10 =	sadd.s32 $0x10000, s10;
	s7 =	simm.s32 $0x1000;
	_ =	swait.ge [sflag:s19], $0x4000  }
0x5e: {  	s6 =	sadd.s32 $0x2000, s11;
	s8 =	sadd.s32 $0x2000, s15;
	[sflag:s19] =	ssyncset.done $0x0  }
0x5f: {  	s9 =	sadd.s32 $0x2000, s14;
	s13 =	smov.u32 s15;
	[sflag:s19] =	ssyncadd.s32 $0xFFFFC000  }
.LBB2_2:
0x60: {  	[hbm4b:s13+s3] =	stream.linear.scatter [tilespmem:s24], [sflag:$0x7], $0x4000, $0x38;
	[tilespmem:$0x16400] =	vst v63  }
0x61: {  	s11 =	smov.u32 s7;
	s13 =	smov.u32 s8  }
0x62: {  	p0 =	sne.s32 s7, $0x17000;
	s7 =	sadd.s32 $0x1000, s7;
	_ =	swait.ge [sflag:s21], $0x4000  }
0x63: {  	s11 =	sshra.s32 s11, $0x2;
	[sflag:s21] =	ssyncset.done $0x0  }
0x64: {  	s12 =	sadd.s32 $0x400, s11;
	[sflag:s21] =	ssyncadd.s32 $0xFFFFC000  }
0x65: {  	[tilespmem:s17], [sflag:$0x1] =	stream.indirect.gather [hbm4b:s4+s16], $0x40, s12, s16, $0xb8;
	[tilespmem:$0x16400] =	vst v63  }
0x66: {  	s12 =	sadd.s32 $0x480, s11  }
0x67: {  	[tilespmem:s18], [sflag:$0x1] =	stream.indirect.gather [hbm4b:s4+s16], $0x40, s12, s16, $0xb8;
	[tilespmem:$0x16400] =	vst v63  }
0x68: {  	_ =	swait.ge [sflag:s23], $0x4000  }
0x69: {  	[sflag:s23] =	ssyncset.done $0x0  }
0x6a: {  	[sflag:s23] =	ssyncadd.s32 $0xFFFFC000  }
0x6b: {  	[hbm4b:s6+s3] =	stream.linear.scatter [tilespmem:s29], [sflag:$0x8], $0x4000, $0x38;
	[tilespmem:$0x16400] =	vst v63  }
0x6c: {  	_ =	swait.ge [sflag:s25], $0x4000  }
0x6d: {  	[sflag:s25] =	ssyncset.done $0x0  }
0x6e: {  	s12 =	sadd.s32 $0x500, s11;
	[sflag:s25] =	ssyncadd.s32 $0xFFFFC000  }
0x6f: {  	[tilespmem:s20], [sflag:$0x2] =	stream.indirect.gather [hbm4b:s4+s16], $0x40, s12, s16, $0xb8;
	[tilespmem:$0x16400] =	vst v63  }
0x70: {  	s12 =	sadd.s32 $0x580, s11  }
0x71: {  	[tilespmem:s22], [sflag:$0x2] =	stream.indirect.gather [hbm4b:s4+s16], $0x40, s12, s16, $0xb8;
	[tilespmem:$0x16400] =	vst v63  }
0x72: {  	_ =	swait.ge [sflag:s1], $0x4000  }
0x73: {  	s12 =	sshrl.u32 s10, $0x3;
	[sflag:s1] =	ssyncset.done $0x0  }
0x74: {  	s12 =	sadd.s32 s2, s12;
	[sflag:s1] =	ssyncadd.s32 $0xFFFFC000  }
0x75: {  	[hbm4b:s12+s3] =	stream.linear.scatter [tilespmem:s17], [sflag:$0x5], $0x4000, $0x38;
	[tilespmem:$0x16400] =	vst v63  }
0x76: {  	_ =	swait.ge [sflag:s28], $0x4000  }
0x77: {  	[sflag:s28] =	ssyncset.done $0x0  }
0x78: {  	s12 =	sadd.s32 $0x600, s11;
	[sflag:s28] =	ssyncadd.s32 $0xFFFFC000  }
0x79: {  	[tilespmem:s24], [sflag:$0x3] =	stream.indirect.gather [hbm4b:s4+s16], $0x40, s12, s16, $0xb8;
	[tilespmem:$0x16400] =	vst v63  }
0x7a: {  	s12 =	sadd.s32 $0x680, s11  }
0x7b: {  	[tilespmem:s26], [sflag:$0x3] =	stream.indirect.gather [hbm4b:s4+s16], $0x40, s12, s16, $0xb8;
	[tilespmem:$0x16400] =	vst v63  }
0x7c: {  	_ =	swait.ge [sflag:s0], $0x4000  }
0x7d: {  	[sflag:s0] =	ssyncset.done $0x0  }
0x7e: {  	[sflag:s0] =	ssyncadd.s32 $0xFFFFC000  }
0x7f: {  	[hbm4b:s9+s3] =	stream.linear.scatter [tilespmem:s20], [sflag:$0x6], $0x4000, $0x38;
	[tilespmem:$0x16400] =	vst v63  }
0x80: {  	_ =	swait.ge [sflag:s30], $0x4000  }
0x81: {  	[sflag:s30] =	ssyncset.done $0x0  }
0x82: {  	s12 =	sadd.s32 $0x700, s11;
	[sflag:s30] =	ssyncadd.s32 $0xFFFFC000  }
0x83: {  	[tilespmem:s29], [sflag:$0x4] =	stream.indirect.gather [hbm4b:s4+s16], $0x40, s12, s16, $0xb8;
	[tilespmem:$0x16400] =	vst v63  }
.Ltmp0:
0x84: {  	s11 =	sadd.s32 $0x780, s11;
	(pc) =	sbr.rel @p0 .LBB2_2-.Ltmp0, $4  }
0x85: {  	[tilespmem:s31], [sflag:$0x4] =	stream.indirect.gather [hbm4b:s4+s16], $0x40, s11, s16, $0xb8;
	[tilespmem:$0x16400] =	vst v63  }
0x86: {  	_ =	swait.ge [sflag:s19], $0x4000  }
0x87: {  	s8 =	sadd.s32 $0x2000, s8;
	s9 =	sadd.s32 $0x2000, s9;
	[sflag:s19] =	ssyncset.done $0x0  }
0x88: {  	s6 =	sadd.s32 $0x2000, s6;
	s10 =	sadd.s32 $0x10000, s10;
	[sflag:s19] =	ssyncadd.s32 $0xFFFFC000  }
0x89: {  	[hbm4b:s13+s3] =	stream.linear.scatter [tilespmem:s24], [sflag:$0x7], $0x4000, $0x38;
	[tilespmem:$0x16400] =	vst v63  }
0x8a: {  	_ =	swait.ge [sflag:s23], $0x4000  }
0x8b: {  	[sflag:s23] =	ssyncset.done $0x0  }
0x8c: {  	s6 =	rddreg [dreg:$0x7];
	[sflag:s23] =	ssyncadd.s32 $0xFFFFC000  }
0x8d: {  	[hbm4b:s6+s3] =	stream.linear.scatter [tilespmem:s29], [sflag:$0x8], $0x4000, $0x38;
	[tilespmem:$0x16400] =	vst v63  }
0x8e: {  	_ =	swait.ge [sflag:s21], $0x4000  }
0x8f: {  	[sflag:s21] =	ssyncset.done $0x0  }
0x90: {  	[sflag:s21] =	ssyncadd.s32 $0xFFFFC000  }
0x91: {  	_ =	swait.ge [sflag:s25], $0x4000  }
0x92: {  	[sflag:s25] =	ssyncset.done $0x0  }
0x93: {  	[sflag:s25] =	ssyncadd.s32 $0xFFFFC000  }
0x94: {  	_ =	swait.ge [sflag:s28], $0x4000  }
0x95: {  	[sflag:s28] =	ssyncset.done $0x0  }
0x96: {  	[sflag:s28] =	ssyncadd.s32 $0xFFFFC000  }
0x97: {  	_ =	swait.ge [sflag:s30], $0x4000  }
0x98: {  	s5 =	sadd.s32 $0x1, s5;
	s13 =	rddreg [dreg:$0x8]  }
0x99: {  	p0 =	sne.s32 s5, s13  }
.Ltmp1:
0x9a: {  	_ = 	snop;
	(pc) =	sbr.rel @p0 .LBB2_1-.Ltmp1, $3  }
0x9b: {  	_ =	sdelay $0x1  }
0x9c: {  	[sflag:s30] =	ssyncset.done $0x0  }
0x9d: {  	[sflag:s30] =	ssyncadd.s32 $0xFFFFC000  }
0x9e: {  	_ =	sfence.sel $0x180000  }
0x9f: {  	[bflag:$0x0] =	sbarrier.arrive $0xFFFF  }
0xa0: {  	_ =	strace $0x90000047  }
0xa1: {  	s0 =	stileid.u32;
	[bflag:$0x2] =	sbarrier.arrive $0xFFFF  }
0xa2: {  	p0 =	sne.s32 s0, $0x0;
	s0 =	rddreg [dreg:$0x2]  }
0xa3: {  	s0 =	sadd.s32 @!p0 $0x100000, s0  }
0xa4: {  	[sflag:s0] =	ssyncadd.tile.s32 @!p0 $0x1;
	_ =	shalt  }
.Lfunc_end2:
_tile_overlayer_lowered:
.L_overlay_start_2:
0xa5: {  	(tag) =	ssettag $0x2  }
0xa6: {  	s0 =	rddreg [dreg:$0x0];
	s2 =	stileid.u32  }
0xa7: {  	s1 =	rddreg [dreg:$0x1];
	p0 =	sne.s32 s2, $0x0  }
0xa8: {  	s3 =	rddreg [dreg:$0x2];
	[bflag:$0x3] =	sbarrier.arrive $0xFFFF;
	s2 =	simm.s32 @!p0 $0x1C09  }
0xa9: {  	[timem:s3], [sflag:s2] =	dma.local @!p0 [hbm:s0], s1  }
0xaa: {  	s0 =	simm.s32 @!p0 $0x9  }
0xab: {  	_ =	swait.ge @!p0 [sflag:s0], s1  }
0xac: {  	s1 =	ssub.s32 @!p0 $0x0, s1;
	[sflag:s0] =	ssyncset.done @!p0 $0x0  }
0xad: {  	[sflag:s0] =	ssyncadd.s32 @!p0 s1  }
0xae: {  	[bflag:$0x3] =	sbarrier.arrive $0xFFFF  }
0xaf: {  	_ =	shalt  }

// kernel: sparse-core-data-format-call.cloned.1.call-start
scs
called_computation_lowered:
.L_overlay_start_0:
0x0: {  	s2 =	sld [smem:$0x3FD9]  }
0x1: {  	s3 =	sld [smem:$0x3FFE];
	_ =	sdelay $0x1  }
0x2: {  	s1 =	srdreg.scid  }
0x3: {  	s0 =	sand.u32 $0x1, s1  }
0x4: {  	s18 =	sshll.u32 s0, $0xA;
	s2 =	sadd.s32 s3, s2  }
0x5: {  	s2 =	sadd.s32 s2, s18  }
0x6: {  	[smem:$0x3FC6] =	sst s2  }
0x7: {  	_ = 	snop  }
0x8: {  	s2 =	sld [smem:$0x3FD0];
	(tm) =	ssettm $0x1  }
0x9: {  	s19 =	sld [smem:$0x3FFB];
	_ =	sdelay $0x3  }
0xa: {  	_ =	strace s19  }
0xb: {  	s3 =	sld [smem:$0x3FFC];
	_ =	sdelay $0x3  }
0xc: {  	_ =	strace s3  }
0xd: {  	s3 =	sld [smem:$0x3FFD];
	_ =	sdelay $0x3  }
0xe: {  	_ =	strace s3  }
0xf: {  	_ =	strace $0x8FFFFFFF  }
0x10: {  	s20 =	sld [smem:$0x3FDB];
	_ =	sdelay $0x1  }
0x11: {  	s4 =	simm.s32 $_scs_section_size  }
0x12: {  	s5 =	simm.s32 $_size__tile_overlayer_lowered;
	s6 =	simm.s32 $_tile_overlayer_lowered  }
0x13: {  	s23 =	simm.s32 $0x1BFF;
	s22 =	sshll.u32 s6, $0x1;
	s3 =	sadd.s32 s4, s20  }
0x14: {  	s7 =	simm.s32 $0x0;
	s21 =	sshll.u32 s5, $0x1;
	s5 =	sadd.s32 s22, s3  }
0x15: {  	[timem:s7], [sflag:s23] =	dma.local [hbm:s5], s21  }
0x16: {  	_ =	swait.ge [sflag:s23], s21  }
0x17: {  	s4 =	ssub.s32 $0x0, s21;
	[sflag:s23] =	ssyncset.done $0x0  }
0x18: {  	[sflag:s23] =	ssyncadd.s32 s4;
	_ =	sdelay $0x1  }
0x19: {  	s24 =	simm.s32 $0x1B8B  }
0x1a: {  	_ =	swait.ge [sflag:s24], $0x1  }
0x1b: {  	[sflag:s24] =	ssyncset.done $0x0  }
0x1c: {  	s26 =	simm.s32 $0x1B8E;
	s25 =	sld [smem:$0x3FFE];
	[sflag:s24] =	ssyncadd.s32 $0xFFFFFFFF  }
0x1d: {  	s27 =	simm.s32 $execute0_lowered;
	[smem:$0x3FD2] =	sst s26  }
0x1e: {  	s5 =	sshll.u32 s27, $0x1;
	_ =	strace $0x80000049;
	[dreg:$0x1] =	wrdreg $0xFFFFFFFF  }
0x1f: {  	s28 =	simm.s32 $_size_execute0_lowered;
	s3 =	sadd.s32 s3, s5;
	[dreg:$0x0] =	wrdreg $0x0  }
0x20: {  	s5 =	sshll.u32 s28, $0x1;
	[dreg:$0x2] =	wrdreg s3  }
0x21: {  	[dreg:$0x3] =	wrdreg s5  }
0x22: {  	[dreg:$0x4] =	wrdreg $0xC0  }
0x23: {  	_ =	task [dreg:s7], $0x5FFFF  }
0x24: {  	[dreg:$0x1] =	wrdreg $0xFFFFFFFF  }
0x25: {  	[dreg:$0x0] =	wrdreg $0x60  }
0x26: {  	[dreg:$0x2] =	wrdreg s25  }
0x27: {  	[dreg:$0x3] =	wrdreg s2  }
0x28: {  	[dreg:$0x4] =	wrdreg $0x9  }
0x29: {  	_ =	task.clear_ibuf [dreg:s7], $0x5FFFF;
	_ =	strace $0x90000049  }
0x2a: {  	s29 =	simm.s32 $0x9;
	_ =	strace $0x8000004B  }
0x2b: {  	_ =	swait.ge [sflag:s29], $0x1  }
0x2c: {  	[sflag:s29] =	ssyncadd.s32 $0xFFFFFFFF  }
0x2d: {  	_ =	strace $0x9000004B  }
0x2e: {  	_ =	sfence  }
0x2f: {  	s30 =	sld [smem:$0x0];
	_ =	sdelay $0x2  }
0x30: {  	s31 =	sshll.u32 s1, $0xD;
	s1 =	sshrl.u32 s1, $0x2  }
0x31: {  	s3 =	sand.u32 $0x4000, s31;
	s1 =	sadd.s32 s1, s30  }
0x32: {  	s0 =	sor.u32 s3, s0;
	s1 =	sshll.u32 s1, $0x11  }
0x33: {  	s0 =	sor.u32 s1, s0  }
0x34: {  	s0 =	sadd.s32 $0x8F2B, s0  }
0x35: {  	[sflag:s0] =	ssyncadd.remote.s32 $0x1  }
0x36: {  	_ =	sfence.sel $0xFFFF  }
0x37: {  	[dreg:$0x0] =	wrdreg $0xFFFFFFFF;
	(pc) =	sbr.abs _section_cstart, $3  }
0x38: {  	[dreg:$0x1] =	wrdreg $0xFFFFFFFF  }
0x39: {  	_ =	task.clear_ibuf [dreg:s7], $0x2FFFF;
	_ =	strace $0x9FFFFFFF  }
0x3a: {  	(tm) =	ssettm $0x7FFFFFFF  }
0x3b: {  	_ =	shalt  }
tec
execute0_lowered:
.L_overlay_start_1:
0x0: {  	(tag) =	ssettag $0x1  }
0x1: {  	s0 =	srdreg.scid  }
0x2: {  	s1 =	sshll.u32 s0, $0x4  }
0x3: {  	s0 =	stileid.u32;
	s1 =	sand.u32 $0x10, s1  }
0x4: {  	s1 =	sor.u32 s0, s1  }
0x5: {  	s6 =	rddreg [dreg:$0x0];
	s4 =	simm.s32 $0x1;
	s2 =	sshll.u32 s1, $0x7  }
0x6: {  	s7 =	simm.s32 $0x2;
	s12 =	simm.s32 $0x0;
	s1 =	ssub.s32 $0x4000, s2  }
0x7: {  	s8 =	simm.s32 $0x20000;
	s13 =	simm.s32 $0x0;
	s3 =	sand.u32 $0xF80, s1  }
0x8: {  	s9 =	simm.s32 $0x0;
	s5 =	sshrl.u32 s1, $0xC;
	p0 =	sne.s32 s3, $0x0  }
.Ltmp0:
0x9: {  	s1 =	rddreg [dreg:$0x2];
	s4 =	simm.s32 @!p0 $0x0;
	(pc) =	sbr.rel .LBB1_1-.Ltmp0, $4  }
0xa: {  	s11 =	simm.s32 $0x0;
	s3 =	rddreg [dreg:$0x1];
	s5 =	sadd.s32 s4, s5  }
0xb: {  	_ =	strace $0x8000004A;
	s4 =	simm.s32 $0x1;
	s5 =	smul.u32 $0x32, s5  }
0xc: {  	s6 =	sadd.s32 $0xA00, s6;
	s10 =	smov.u32 s2;
	[sflag:s4] =	ssyncpa.u1 $0x0  }
0xd: {  	p0 =	por $0x0, $0x0;
	[sflag:s7] =	ssyncpa.u1 $0x0;
	s7 =	sor.u32 $0x1, s5  }
.LBB1_4:
0xe: {  	s16 =	sshll.u32 s13, $0x3;
	s17 =	sand.u32 $0x78, s13  }
0xf: {  	s30 =	sand.u32 $0x1F800, s13;
	s12 =	sshll.u32 s12, $0x11;
	s16 =	sand.u32 $0x3C00, s16  }
0x10: {  	[tilespmem:s15+$0x810 ss:$0x81] =	vst.msk $0xffff, v2;
	s31 =	sand.u32 $0x7, s13;
	s16 =	sor.u32 s17, s16;
	s17 =	sadd.s32 s3, s30  }
0x11: {  	[tilespmem:s15+$0x1020 ss:$0x81] =	vst.msk $0xffff, v0;
	s13 =	sshll.u32 s31, $0x12;
	s12 =	sadd.s32 s12, s17;
	s16 =	sshrl.u32 s16, $0x3  }
0x12: {  	[tilespmem:s15+$0x0 ss:$0x81] =	vst.msk $0xffff, v1;
	s13 =	sor.u32 $0x400, s13;
	s12 =	sadd.s32 s16, s12  }
0x13: {  	[hbm4b:s12+s13] =	stream.strided.scatter [tilespmem:s14], [sflag:$0x2], $0x2000, s8, s13, $0x20;
	[tilespmem:$0x8080] =	vst v63  }
.LBB1_5:
0x14: {  	s14 =	sadd.s32 $0x1, s9  }
0x15: {  	s12 =	sadd.s32 $0x1000, s10;
	s16 =	smov.u32 s10;
	p2 =	sgt.s32 s14, $0x31  }
0x16: {  	s16 =	smov.u32 @p2 s12  }
0x17: {  	s14 =	simm.s32 @p2 $0x0;
	p2 =	sgt.s32 s16, $0x3FFF  }
0x18: {  	s16 =	smov.u32 @p2 s2;
	p2 =	sne.s32 s11, s7  }
.Ltmp1:
0x19: {  	p1 =	slt.u32 s11, $0x2;
	(pc) =	sbr.rel @!p2 .LBB1_6-.Ltmp1, $4  }
0x1a: {  	s15 =	simm.s32 @!p1 $0x2  }
0x1b: {  	s13 =	smov.u32 s10;
	p0 =	por !p0, !p0;
	_ =	swait.ge @!p1 [sflag:s15], $0x2000  }
0x1c: {  	s12 =	smov.u32 s9;
	[sflag:s15] =	ssyncset.done @!p1 $0x0;
	s9 =	smov.u32 s14  }
0x1d: {  	s11 =	sadd.s32 $0x1, s11;
	[sflag:s15] =	ssyncadd.s32 @!p1 $0xFFFFE000;
	s10 =	smov.u32 s16  }
.LBB1_1:
0x1e: {  	p1 =	sge.u32 s11, s5  }
0x1f: {  	s14 =	sand.u32 @!p1 $0x1FFFFFF, s9  }
0x20: {  	s15 =	smulhi.u32 @!p1 $0x4924925, s14;
	_ =	sdelay $0x1  }
0x21: {  	s15 =	smul.u32 @!p1 $0x38, s15  }
0x22: {  	s16 =	sxor.u32 @!p1 $0xFFFFFFFF, s11;
	s17 =	smul.u32 @!p1 $0x380, s10  }
0x23: {  	s31 =	sadd.s32 $0xFFFFFFFF, s11;
	s16 =	sshll.u32 @!p1 s16, $0xD;
	s14 =	ssub.s32 @!p1 s14, s15  }
0x24: {  	s15 =	sand.u32 @!p1 $0x2000, s16;
	s16 =	sadd.s32 @!p1 s6, s17;
	s14 =	sshll.u32 @!p1 s14, $0x4  }
0x25: {  	s17 =	simm.s32 @!p1 $0x1C00;
	s14 =	sadd.s32 @!p1 s14, s16;
	s16 =	simm.s32 @!p1 $0x40  }
0x26: {  	[tilespmem:s15], [sflag:$0x1] =	stream.strided.gather @!p1 [hbm4b:s14+s16], $0x2000, s17, s16, $0x38;
	[tilespmem:$0x8080] =	vst v63  }
0x27: {  	p1 =	sge.u32 s31, s5  }
.Ltmp2:
0x28: {  	_ = 	snop;
	(pc) =	sbr.rel @p1 .LBB1_5-.Ltmp2, $1  }
0x29: {  	_ =	sdelay $0x3  }
0x2a: {  	s14 =	simm.s32 $0x1  }
0x2b: {  	_ =	swait.ge [sflag:s4], $0x2000;
	s14 =	simm.s32 @!p0 $0x0  }
0x2c: {  	[sflag:s4] =	ssyncset.done $0x0;
	s15 =	sshll.u32 s14, $0xD  }
0x2d: {  	[sflag:s4] =	ssyncadd.s32 $0xFFFFE000;
	s18 =	sor.u32 $0x20, s15  }
0x2e: {  	s14 =	smul.u32 $0x8100, s14;
	v3 =	vld [tilespmem:s18+$0x10]  }
0x2f: {  	s30 =	sand.u32 $0x1, s11;
	v2 =	vld [tilespmem:s18+$0xFFFFFFF0]  }
0x30: {  	s15 =	smul.u32 $0x8100, s30;
	s14 =	sshrl.u32 s14, $0x2;
	v0 =	vld [tilespmem:s18+$0x0]  }
0x31: {  	v1 =	vld [tilespmem:s18+$0xFFFFFFE0];
	s16 =	sor.u32 $0x4000, s14  }
0x32: {  	s31 =	sshrl.u32 s15, $0x2;
	s15 =	sadd.s32 $0x0, s16  }
0x33: {  	s17 =	simm.s32 $0x4;
	s18 =	sadd.s32 $0x40, s18;
	s14 =	sor.u32 $0x4000, s31;
	[tilespmem:s15+$0x1830 ss:$0x81] =	vst.msk $0xffff, v3  }
.LBB1_3:
0x34: {  	v3 =	vld [tilespmem:s18+$0x10];
	p1 =	sne.s32 s17, $0x1FC;
	[tilespmem:s15+$0x810 ss:$0x81] =	vst.msk $0xffff, v2;
	s19 =	smov.u32 s17;
	s17 =	sadd.s32 $0x4, s17  }
.Ltmp3:
0x35: {  	v2 =	vld [tilespmem:s18+$0xFFFFFFF0];
	[tilespmem:s15+$0x1020 ss:$0x81] =	vst.msk $0xffff, v0;
	(pc) =	sbr.rel @p1 .LBB1_3-.Ltmp3, $4  }
0x36: {  	v0 =	vld [tilespmem:s18+$0x0];
	[tilespmem:s15+$0x0 ss:$0x81] =	vst.msk $0xffff, v1  }
0x37: {  	s15 =	sshra.s32 s19, $0x2;
	v1 =	vld [tilespmem:s18+$0xFFFFFFE0]  }
0x38: {  	s15 =	sadd.s32 s15, s16  }
0x39: {  	s18 =	sadd.s32 $0x40, s18;
	[tilespmem:s15+$0x1830 ss:$0x81] =	vst.msk $0xffff, v3  }
.Ltmp4:
0x3a: {  	_ = 	snop;
	(pc) =	sbr.rel .LBB1_4-.Ltmp4, $1  }
0x3b: {  	_ =	sdelay $0x3  }
.LBB1_6:
0x3c: {  	_ =	sfence.sel $0x180000  }
0x3d: {  	s2 =	simm.s32 $0x1;
	[bflag:$0x0] =	sbarrier.arrive $0xFFFF  }
0x3e: {  	s31 =	simm.s32 $0x2;
	[sflag:s2] =	ssyncpa.u1 $0x1  }
0x3f: {  	[sflag:s31] =	ssyncpa.u1 $0x1  }
0x40: {  	p0 =	sne.s32 s0, $0x0;
	_ =	strace $0x9000004A  }
0x41: {  	s0 =	sadd.s32 @!p0 $0x100000, s1;
	[bflag:$0x2] =	sbarrier.arrive $0xFFFF  }
0x42: {  	[sflag:s0] =	ssyncadd.tile.s32 @!p0 $0x1;
	_ =	shalt  }
.Lfunc_end1:
_tile_overlayer_lowered:
.L_overlay_start_2:
0x43: {  	(tag) =	ssettag $0x2  }
0x44: {  	s0 =	rddreg [dreg:$0x0];
	s2 =	stileid.u32  }
0x45: {  	s1 =	rddreg [dreg:$0x1];
	p0 =	sne.s32 s2, $0x0  }
0x46: {  	s3 =	rddreg [dreg:$0x2];
	[bflag:$0x3] =	sbarrier.arrive $0xFFFF;
	s2 =	simm.s32 @!p0 $0x1C01  }
0x47: {  	[timem:s3], [sflag:s2] =	dma.local @!p0 [hbm:s0], s1  }
0x48: {  	s0 =	simm.s32 @!p0 $0x1  }
0x49: {  	_ =	swait.ge @!p0 [sflag:s0], s1  }
0x4a: {  	s1 =	ssub.s32 @!p0 $0x0, s1;
	[sflag:s0] =	ssyncset.done @!p0 $0x0  }
0x4b: {  	[sflag:s0] =	ssyncadd.s32 @!p0 s1  }
0x4c: {  	[bflag:$0x3] =	sbarrier.arrive $0xFFFF  }
0x4d: {  	_ =	shalt  }

</sc_bundles>
